<compile_context>
chip_gen: v7x
topology: tpu7x:2x2x1
jax: 0.10.2.dev20260603
libtpu: 0.0.44.dev20260713+nightly
codegen_flags: <defaults>
</compile_context>

<pallas_src>
import functools

import jax
import jax.numpy as jnp
from jax import lax
from jax.experimental import pallas as pl
from jax.experimental.pallas import tpu as pltpu
from jax.experimental.pallas import tpu_sc as plsc

E = 640000
H = 8
D = 16
N_NODES = 10000
EPS = 1e-8

HD = H * D
EP = E * H
EPQ = EP // 128
XW = 16 * HD

NW = 32
EPW = E // NW
TBL = 81920
SLICE = TBL // 16

C_SC = 1000
NCH_SC = EPW // C_SC
C_GA = 1000
NCH_GA = EPW // C_GA

_BLKF = 4000
_GRIDF = EPQ // _BLKF
_BLKN = 400
_GRIDN = EPQ // _BLKN


def _norm_body(xi_ref, xj_ref, ni_ref, sj_ref):
    km = lax.broadcasted_iota(jnp.int32, (HD, H), 0) // D
    hm = lax.broadcasted_iota(jnp.int32, (HD, H), 1)
    m = (km == hm).astype(jnp.float32)
    xi = xi_ref[...]
    ssqi = jnp.dot(xi * xi, m, preferred_element_type=jnp.float32)
    ni_ref[...] = jnp.sqrt(ssqi) + EPS
    xj = xj_ref[...]
    sj_ref[...] = jnp.dot(xj * xj, m, preferred_element_type=jnp.float32)


_norms = pl.pallas_call(
    _norm_body,
    grid=(_GRIDN,),
    in_specs=[
        pl.BlockSpec((_BLKN * 16, HD), lambda i: (i, 0)),
        pl.BlockSpec((_BLKN * 16, HD), lambda i: (i, 0)),
    ],
    out_specs=[
        pl.BlockSpec((_BLKN * 16, H), lambda i: (i, 0)),
        pl.BlockSpec((_BLKN * 16, H), lambda i: (i, 0)),
    ],
    out_shape=[
        jax.ShapeDtypeStruct((E, H), jnp.float32),
        jax.ShapeDtypeStruct((E, H), jnp.float32),
    ],
)


def _final_body(e_ref, ni_ref, g_ref, o_ref):
    den = 2.0 * (ni_ref[...] + g_ref[...]) + EPS
    r = e_ref[...] / den
    o_ref[...] = jnp.minimum(jnp.maximum(r, -10.0), 10.0)


_final = pl.pallas_call(
    _final_body,
    grid=(_GRIDF,),
    in_specs=[
        pl.BlockSpec((_BLKF, 128), lambda i: (i, 0)),
        pl.BlockSpec((_BLKF, 128), lambda i: (i, 0)),
        pl.BlockSpec((_BLKF, 128), lambda i: (i, 0)),
    ],
    out_specs=pl.BlockSpec((_BLKF, 128), lambda i: (i, 0)),
    out_shape=jax.ShapeDtypeStruct((EPQ, 128), jnp.float32),
)


def _sqrt16(s):
    i = plsc.bitcast(s, jnp.int32)
    i = 0x5F3759DF - (i >> 1)
    y = plsc.bitcast(i, jnp.float32)
    for _ in range(3):
        y = y * (1.5 - 0.5 * s * y * y)
    return s * y


_sc_mesh = plsc.VectorSubcoreMesh(core_axis_name="c", subcore_axis_name="s")
_sc_params = pltpu.CompilerParams(needs_layout_passes=False)


@functools.partial(
    pl.kernel,
    out_type=jax.ShapeDtypeStruct((NW, TBL), jnp.float32),
    mesh=_sc_mesh,
    scratch_types=[
        pltpu.VMEM((TBL,), jnp.float32),
        pltpu.VMEM((C_SC,), jnp.int32),
        pltpu.VMEM((C_SC * H,), jnp.float32),
    ],
    compiler_params=_sc_params,
)
def _scatter_max(idx_hbm, ssq_hbm, out_hbm, tbl, idx_v, val_v):
    cid = lax.axis_index("c")
    sid = lax.axis_index("s")
    wid = sid * 2 + cid

    zero = jnp.zeros((16,), jnp.float32)

    @pl.loop(0, TBL // 16)
    def _zero(i):
        tbl[pl.ds(i * 16, 16)] = zero

    iota = lax.iota(jnp.int32, 16)
    eoff = iota // H
    hh = iota - eoff * H

    base_e = wid * EPW

    @pl.loop(0, NCH_SC)
    def _chunk(ci):
        off = base_e + ci * C_SC
        pltpu.sync_copy(idx_hbm.at[pl.ds(off, C_SC)], idx_v)
        pltpu.sync_copy(ssq_hbm.at[pl.ds(off * H, C_SC * H)], val_v)

        @pl.loop(0, C_SC // 2)
        def _pair(j):
            e2 = plsc.load_gather(idx_v, [j * 2 + eoff])
            t = e2 * H + hh
            val = val_v[pl.ds(j * 16, 16)]
            cur = plsc.load_gather(tbl, [t])
            plsc.store_scatter(tbl, [t], jnp.maximum(cur, val))
            chk = plsc.load_gather(tbl, [t])
            lost = chk < val
            plsc.store_scatter(tbl, [t], jnp.maximum(chk, val), mask=lost)

    pltpu.sync_copy(tbl, out_hbm.at[wid])


@functools.partial(
    pl.kernel,
    out_type=jax.ShapeDtypeStruct((EP,), jnp.float32),
    mesh=_sc_mesh,
    scratch_types=[
        pltpu.VMEM((TBL,), jnp.float32),
        pltpu.VMEM((SLICE,), jnp.float32),
        pltpu.VMEM((SLICE,), jnp.float32),
        pltpu.VMEM_SHARED((TBL,), jnp.float32),
        pltpu.VMEM((C_GA,), jnp.int32),
        pltpu.VMEM((C_GA * H,), jnp.float32),
    ],
    compiler_params=_sc_params,
)
def _gather_tbl(idx_hbm, tbls_hbm, out_hbm, tblm, tmp_v, acc_v, stage,
                idx_v, o_v):
    cid = lax.axis_index("c")
    sid = lax.axis_index("s")
    wid = sid * 2 + cid

    mybase = sid * SLICE
    pltpu.sync_copy(tbls_hbm.at[0, pl.ds(mybase, SLICE)], acc_v)

    @pl.loop(1, NW)
    def _merge(t):
        pltpu.sync_copy(tbls_hbm.at[t, pl.ds(mybase, SLICE)], tmp_v)

        @pl.loop(0, SLICE // 16)
        def _mx(i):
            sl = pl.ds(i * 16, 16)
            acc_v[sl] = jnp.maximum(acc_v[sl], tmp_v[sl])

    @pl.loop(0, SLICE // 16)
    def _rt(i):
        sl = pl.ds(i * 16, 16)
        acc_v[sl] = _sqrt16(acc_v[sl]) + 2.0 * EPS

    pltpu.sync_copy(acc_v, stage.at[pl.ds(mybase, SLICE)])
    plsc.subcore_barrier()
    pltpu.sync_copy(stage, tblm)

    iota = lax.iota(jnp.int32, 16)
    eoff = iota // H
    hh = iota - eoff * H

    base_e = wid * EPW

    @pl.loop(0, NCH_GA)
    def _chunk(ci):
        off = base_e + ci * C_GA
        pltpu.sync_copy(idx_hbm.at[pl.ds(off, C_GA)], idx_v)

        @pl.loop(0, C_GA // 2)
        def _pair(j):
            e2 = plsc.load_gather(idx_v, [j * 2 + eoff])
            g = plsc.load_gather(tblm, [e2 * H + hh])
            o_v[pl.ds(j * 16, 16)] = g

        pltpu.sync_copy(o_v, out_hbm.at[pl.ds(off * H, C_GA * H)])


def kernel(e_ij, x_i, x_j, index):
    idx32 = index.astype(jnp.int32)
    ni, sj = _norms(x_i.reshape(E, HD), x_j.reshape(E, HD))
    tbls = _scatter_max(idx32, sj.reshape(EP))
    g = _gather_tbl(idx32, tbls)
    out = _final(e_ij.reshape(EPQ, 128), ni.reshape(EPQ, 128),
                 g.reshape(EPQ, 128))
    return out.reshape(E, H)

# --- scband reference (transcript-rebuilt; emitter-appended) ---
"""Pipeline reference for scband-stable-lipschitz-norm-68685116997814 (READ-ONLY COPY).

The authoritative reference and input builder live on the scoring server;
editing this copy changes nothing except your own understanding.
"""

import jax, jax.numpy as jnp
import numpy as np

E = 640000
H = 8
D = 16
N_NODES = 10000


def setup_inputs(seed: int = 0) -> dict:
    key = jax.random.key(seed)
    k1, k2, k3, k4 = jax.random.split(key, 4)
    e_ij = jax.random.normal(k1, (E, H), dtype=jnp.float32)
    x_i = jax.random.normal(k2, (E, H, D), dtype=jnp.float32)
    x_j = jax.random.normal(k3, (E, H, D), dtype=jnp.float32)
    index = jax.random.randint(k4, (E,), 0, N_NODES, dtype=jnp.int64)
    return {"e_ij": e_ij, "x_i": x_i, "x_j": x_j, "index": index}


def reference(e_ij, x_i, x_j, index):
    att_norm = 2.0
    eps = 1e-08
    # per-edge L2 norms over feature dim -> [E, H]
    ni = jnp.linalg.norm(x_i, ord=2, axis=-1) + eps
    nj = jnp.linalg.norm(x_j, ord=2, axis=-1) + eps
    # scatter-reduce amax per destination node (matches torch scatter_reduce
    # with include_self=False: only written rows are ever gathered back)
    num_segments = N_NODES
    max_nj_per_node = jax.ops.segment_max(nj, index, num_segments=num_segments) + eps
    denom = att_norm * (ni + max_nj_per_node[index]) + eps
    ratio = e_ij / denom
    return jnp.clip(ratio, -10.0, 10.0)

if __name__ == "__main__":
    import jax
    _d = setup_inputs()
    print(jax.jit(kernel)(*tuple(_d.values())))

</pallas_src>

<mosaic_0001>
#map = affine_map<(d0, d1) -> (0)>
#map1 = affine_map<(d0, d1) -> (0, 0)>
module attributes {stable_mosaic.version = 14 : i64} {
  func.func @_scatter_max(%arg0: i32, %arg1: i32, %arg2: memref<640000xi32, #tpu.memory_space<hbm>>, %arg3: memref<5120000xf32, #tpu.memory_space<hbm>>, %arg4: memref<32x81920xf32, #tpu.memory_space<hbm>>, %arg5: memref<81920xf32, #tpu.memory_space<vmem>>, %arg6: memref<1000xi32, #tpu.memory_space<vmem>>, %arg7: memref<8000xf32, #tpu.memory_space<vmem>>) attributes {dimension_semantics = [#tpu.dimension_semantics<core_parallel>, #tpu.dimension_semantics<subcore_parallel>], iteration_bounds = array<i64: 2, 16>, scalar_prefetch = 0 : i64, scratch_operands = 3 : i64, tpu.core_type = #tpu.core_type<sc_vector_subcore>, window_params = [{transform_indices = #map}, {transform_indices = #map}, {transform_indices = #map1}]} {
    %mul3A = arith.constant 2 : i32
    %mul3A_0 = arith.muli %arg1, %mul3A : i32
    %add3A = arith.addi %mul3A_0, %arg0 : i32
    %broadcast_in_dim3A = arith.constant 0.000000e+00 : f32
    %broadcast_in_dim3A_1 = vector.broadcast %broadcast_in_dim3A : f32 to vector<16xf32>
    %scan3A = arith.constant 0 : i32
    %scan3A_2 = arith.constant 5120 : i32
    %scan3A_3 = arith.addi %scan3A, %scan3A_2 : i32
    %scan3A_4 = arith.constant 1 : i32
    scf.for %scan3A_40 = %scan3A to %scan3A_3 step %scan3A_4  : i32 {
      %mul3A_41 = arith.constant 1 : i32
      %mul3A_42 = arith.muli %scan3A_40, %mul3A_41 : i32
      %add3A_43 = arith.constant 0 : i32
      %add3A_44 = arith.addi %add3A_43, %mul3A_42 : i32
      %mul3A_45 = arith.constant 16 : i32
      %mul3A_46 = arith.muli %add3A_44, %mul3A_45 : i32
      %swap3A = arith.index_cast %mul3A_46 : i32 to index
      %swap3A_47 = tpu.vector_load %arg5[%swap3A] {strides = array<i32>} : memref<81920xf32, #tpu.memory_space<vmem>>, vector<16xf32>,
      tpu.vector_store %arg5[%swap3A], %broadcast_in_dim3A_1 {strides = array<i32>} : memref<81920xf32, #tpu.memory_space<vmem>>, vector<16xf32>,
    }
    %scan3A_5 = arith.constant 5120 : i32
    %iota3A = tpu.iota {dimensions = array<i32: 0>} : vector<16xi32>
    %jit3A = arith.constant 8 : i32
    %div3A = vector.broadcast %jit3A : i32 to vector<16xi32>
    %div3A_6 = arith.divsi %iota3A, %div3A : vector<16xi32>
    %sign3A = arith.constant 0 : i32
    %sign3A_7 = vector.broadcast %sign3A : i32 to vector<16xi32>
    %sign3A_8 = arith.cmpi sgt, %iota3A, %sign3A_7 : vector<16xi32>
    %sign3A_9 = arith.extui %sign3A_8 : vector<16xi1> to vector<16xi32>
    %sign3A_10 = arith.constant 0 : i32
    %sign3A_11 = vector.broadcast %sign3A_10 : i32 to vector<16xi32>
    %sign3A_12 = arith.cmpi slt, %iota3A, %sign3A_11 : vector<16xi32>
    %sign3A_13 = arith.extui %sign3A_12 : vector<16xi1> to vector<16xi32>
    %sign3A_14 = arith.subi %sign3A_9, %sign3A_13 : vector<16xi32>
    %sign3A_15 = arith.constant 0 : i32
    %sign3A_16 = arith.cmpi sgt, %jit3A, %sign3A_15 : i32
    %sign3A_17 = arith.extui %sign3A_16 : i1 to i32
    %sign3A_18 = arith.constant 0 : i32
    %sign3A_19 = arith.cmpi slt, %jit3A, %sign3A_18 : i32
    %sign3A_20 = arith.extui %sign3A_19 : i1 to i32
    %sign3A_21 = arith.subi %sign3A_17, %sign3A_20 : i32
    %ne3A = vector.broadcast %sign3A_21 : i32 to vector<16xi32>
    %ne3A_22 = arith.cmpi ne, %sign3A_14, %ne3A : vector<16xi32>
    %rem3A = vector.broadcast %jit3A : i32 to vector<16xi32>
    %rem3A_23 = arith.remsi %iota3A, %rem3A : vector<16xi32>
    %ne3A_24 = arith.constant 0 : i32
    %ne3A_25 = vector.broadcast %ne3A_24 : i32 to vector<16xi32>
    %ne3A_26 = arith.cmpi ne, %rem3A_23, %ne3A_25 : vector<16xi32>
    %and3A = arith.andi %ne3A_22, %ne3A_26 : vector<16xi1>
    %sub3A = arith.constant 1 : i32
    %sub3A_27 = vector.broadcast %sub3A : i32 to vector<16xi32>
    %sub3A_28 = arith.subi %div3A_6, %sub3A_27 : vector<16xi32>
    %select_n3A = arith.select %and3A, %sub3A_28, %div3A_6 : vector<16xi1>, vector<16xi32>
    %mul3A_29 = arith.constant 8 : i32
    %mul3A_30 = vector.broadcast %mul3A_29 : i32 to vector<16xi32>
    %mul3A_31 = arith.muli %select_n3A, %mul3A_30 : vector<16xi32>
    %sub3A_32 = arith.subi %iota3A, %mul3A_31 : vector<16xi32>
    %mul3A_33 = arith.constant 20000 : i32
    %mul3A_34 = arith.muli %add3A, %mul3A_33 : i32
    %scan3A_35 = arith.constant 0 : i32
    %scan3A_36 = arith.constant 20 : i32
    %scan3A_37 = arith.addi %scan3A_35, %scan3A_36 : i32
    %scan3A_38 = arith.constant 1 : i32
    scf.for %scan3A_40 = %scan3A_35 to %scan3A_37 step %scan3A_38  : i32 {
      %mul3A_41 = arith.constant 1 : i32
      %mul3A_42 = arith.muli %scan3A_40, %mul3A_41 : i32
      %add3A_43 = arith.constant 0 : i32
      %add3A_44 = arith.addi %add3A_43, %mul3A_42 : i32
      %mul3A_45 = arith.constant 1000 : i32
      %mul3A_46 = arith.muli %add3A_44, %mul3A_45 : i32
      %add3A_47 = arith.addi %mul3A_34, %mul3A_46 : i32
      "tpu.region"() ({
        %run_scoped3A = tpu.sem_alloc : memref<!tpu.dma_semaphore, #tpu.memory_space<semaphore_mem>>
        %dma_start3A = tpu.memref_slice %arg2[%add3A_47] : memref<640000xi32, #tpu.memory_space<hbm>> -> memref<1000xi32, #tpu.memory_space<hbm>>
        %dma_start3A_55 = tpu.memref_slice %arg2[%add3A_47] : memref<640000xi32, #tpu.memory_space<hbm>> -> memref<1000xi32, #tpu.memory_space<hbm>>
        tpu.enqueue_dma source(%dma_start3A_55 : memref<1000xi32, #tpu.memory_space<hbm>>) target(%arg6 : memref<1000xi32, #tpu.memory_space<vmem>>) target_semaphore(%run_scoped3A : memref<!tpu.dma_semaphore, #tpu.memory_space<semaphore_mem>>)
        %dma_wait3A = tpu.memref_slice %arg2[%add3A_47] : memref<640000xi32, #tpu.memory_space<hbm>> -> memref<1000xi32, #tpu.memory_space<hbm>>
        %dma_wait3A_56 = tpu.memref_slice %arg2[%add3A_47] : memref<640000xi32, #tpu.memory_space<hbm>> -> memref<1000xi32, #tpu.memory_space<hbm>>
        tpu.wait_dma2 semaphore(%run_scoped3A : memref<!tpu.dma_semaphore, #tpu.memory_space<semaphore_mem>>) src(%dma_wait3A_56 : memref<1000xi32, #tpu.memory_space<hbm>>) dst(%arg6 : memref<1000xi32, #tpu.memory_space<vmem>>)
        tpu.yield
      }) : () -> ()
      %mul3A_48 = arith.constant 8 : i32
      %mul3A_49 = arith.muli %add3A_47, %mul3A_48 : i32
      "tpu.region"() ({
        %run_scoped3A = tpu.sem_alloc : memref<!tpu.dma_semaphore, #tpu.memory_space<semaphore_mem>>
        %dma_start3A = tpu.memref_slice %arg3[%mul3A_49] : memref<5120000xf32, #tpu.memory_space<hbm>> -> memref<8000xf32, #tpu.memory_space<hbm>>
        %dma_start3A_55 = tpu.memref_slice %arg3[%mul3A_49] : memref<5120000xf32, #tpu.memory_space<hbm>> -> memref<8000xf32, #tpu.memory_space<hbm>>
        tpu.enqueue_dma source(%dma_start3A_55 : memref<8000xf32, #tpu.memory_space<hbm>>) target(%arg7 : memref<8000xf32, #tpu.memory_space<vmem>>) target_semaphore(%run_scoped3A : memref<!tpu.dma_semaphore, #tpu.memory_space<semaphore_mem>>)
        %dma_wait3A = tpu.memref_slice %arg3[%mul3A_49] : memref<5120000xf32, #tpu.memory_space<hbm>> -> memref<8000xf32, #tpu.memory_space<hbm>>
        %dma_wait3A_56 = tpu.memref_slice %arg3[%mul3A_49] : memref<5120000xf32, #tpu.memory_space<hbm>> -> memref<8000xf32, #tpu.memory_space<hbm>>
        tpu.wait_dma2 semaphore(%run_scoped3A : memref<!tpu.dma_semaphore, #tpu.memory_space<semaphore_mem>>) src(%dma_wait3A_56 : memref<8000xf32, #tpu.memory_space<hbm>>) dst(%arg7 : memref<8000xf32, #tpu.memory_space<vmem>>)
        tpu.yield
      }) : () -> ()
      %scan3A_50 = arith.constant 0 : i32
      %scan3A_51 = arith.constant 500 : i32
      %scan3A_52 = arith.addi %scan3A_50, %scan3A_51 : i32
      %scan3A_53 = arith.constant 1 : i32
      scf.for %scan3A_55 = %scan3A_50 to %scan3A_52 step %scan3A_53  : i32 {
        %mul3A_56 = arith.constant 1 : i32
        %mul3A_57 = arith.muli %scan3A_55, %mul3A_56 : i32
        %add3A_58 = arith.constant 0 : i32
        %add3A_59 = arith.addi %add3A_58, %mul3A_57 : i32
        %mul3A_60 = arith.constant 2 : i32
        %mul3A_61 = arith.muli %add3A_59, %mul3A_60 : i32
        %add3A_62 = vector.broadcast %mul3A_61 : i32 to vector<16xi32>
        %add3A_63 = arith.addi %add3A_62, %select_n3A : vector<16xi32>
        %gather3A = tpu.vector_load_idx %arg6[%add3A_63] : memref<1000xi32, #tpu.memory_space<vmem>>[vector<16xi32>], vector<16xi32>,
        %mul3A_64 = arith.constant 8 : i32
        %mul3A_65 = vector.broadcast %mul3A_64 : i32 to vector<16xi32>
        %mul3A_66 = arith.muli %gather3A, %mul3A_65 : vector<16xi32>
        %add3A_67 = arith.addi %mul3A_66, %sub3A_32 : vector<16xi32>
        %mul3A_68 = arith.constant 16 : i32
        %mul3A_69 = arith.muli %add3A_59, %mul3A_68 : i32
        %get3A = arith.index_cast %mul3A_69 : i32 to index
        %get3A_70 = tpu.vector_load %arg7[%get3A] {strides = array<i32>} : memref<8000xf32, #tpu.memory_space<vmem>>, vector<16xf32>,
        %gather3A_71 = tpu.vector_load_idx %arg5[%add3A_67] : memref<81920xf32, #tpu.memory_space<vmem>>[vector<16xi32>], vector<16xf32>,
        %max3A = arith.maximumf %gather3A_71, %get3A_70 : vector<16xf32>
        tpu.vector_store_idx %arg5[%add3A_67], %max3A : memref<81920xf32, #tpu.memory_space<vmem>>[vector<16xi32>], vector<16xf32>,
        %gather3A_72 = tpu.vector_load_idx %arg5[%add3A_67] : memref<81920xf32, #tpu.memory_space<vmem>>[vector<16xi32>], vector<16xf32>,
        %lt3A = arith.cmpf olt, %gather3A_72, %get3A_70 : vector<16xf32>
        %max3A_73 = arith.maximumf %gather3A_72, %get3A_70 : vector<16xf32>
        tpu.vector_store_idx %arg5[%add3A_67], %max3A_73 masked %lt3A : memref<81920xf32, #tpu.memory_space<vmem>>[vector<16xi32>], vector<16xf32>, vector<16xi1>
      }
      %scan3A_54 = arith.constant 500 : i32
    }
    %scan3A_39 = arith.constant 20 : i32
    "tpu.region"() ({
      %run_scoped3A = tpu.sem_alloc : memref<!tpu.dma_semaphore, #tpu.memory_space<semaphore_mem>>
      %dma_start3A = arith.constant 0 : i32
      %dma_start3A_40 = tpu.memref_slice %arg4[%add3A, %dma_start3A] : memref<32x81920xf32, #tpu.memory_space<hbm>> -> memref<1x81920xf32, #tpu.memory_space<hbm>>
      %dma_start3A_41 = tpu.memref_squeeze %dma_start3A_40 : memref<1x81920xf32, #tpu.memory_space<hbm>> -> memref<81920xf32, #tpu.memory_space<hbm>>
      %dma_start3A_42 = arith.constant 0 : i32
      %dma_start3A_43 = tpu.memref_slice %arg4[%add3A, %dma_start3A_42] : memref<32x81920xf32, #tpu.memory_space<hbm>> -> memref<1x81920xf32, #tpu.memory_space<hbm>>
      %dma_start3A_44 = tpu.memref_squeeze %dma_start3A_43 : memref<1x81920xf32, #tpu.memory_space<hbm>> -> memref<81920xf32, #tpu.memory_space<hbm>>
      tpu.enqueue_dma source(%arg5 : memref<81920xf32, #tpu.memory_space<vmem>>) target(%dma_start3A_44 : memref<81920xf32, #tpu.memory_space<hbm>>) target_semaphore(%run_scoped3A : memref<!tpu.dma_semaphore, #tpu.memory_space<semaphore_mem>>)
      %dma_wait3A = arith.constant 0 : i32
      %dma_wait3A_45 = tpu.memref_slice %arg4[%add3A, %dma_wait3A] : memref<32x81920xf32, #tpu.memory_space<hbm>> -> memref<1x81920xf32, #tpu.memory_space<hbm>>
      %dma_wait3A_46 = tpu.memref_squeeze %dma_wait3A_45 : memref<1x81920xf32, #tpu.memory_space<hbm>> -> memref<81920xf32, #tpu.memory_space<hbm>>
      %dma_wait3A_47 = arith.constant 0 : i32
      %dma_wait3A_48 = tpu.memref_slice %arg4[%add3A, %dma_wait3A_47] : memref<32x81920xf32, #tpu.memory_space<hbm>> -> memref<1x81920xf32, #tpu.memory_space<hbm>>
      %dma_wait3A_49 = tpu.memref_squeeze %dma_wait3A_48 : memref<1x81920xf32, #tpu.memory_space<hbm>> -> memref<81920xf32, #tpu.memory_space<hbm>>
      tpu.wait_dma2 semaphore(%run_scoped3A : memref<!tpu.dma_semaphore, #tpu.memory_space<semaphore_mem>>) src(%arg5 : memref<81920xf32, #tpu.memory_space<vmem>>) dst(%dma_wait3A_49 : memref<81920xf32, #tpu.memory_space<hbm>>)
      tpu.yield
    }) : () -> ()
    return
  }
}

#map = affine_map<(d0, d1) -> (0)>
#map1 = affine_map<(d0, d1) -> (0, 0)>
module attributes {stable_mosaic.version = 14 : i64} {
  func.func @_gather_tbl(%arg0: i32, %arg1: i32, %arg2: memref<640000xi32, #tpu.memory_space<hbm>>, %arg3: memref<32x81920xf32, #tpu.memory_space<hbm>>, %arg4: memref<5120000xf32, #tpu.memory_space<hbm>>, %arg5: memref<81920xf32, #tpu.memory_space<vmem>>, %arg6: memref<5120xf32, #tpu.memory_space<vmem>>, %arg7: memref<5120xf32, #tpu.memory_space<vmem>>, %arg8: memref<81920xf32, #tpu.memory_space<vmem_shared>>, %arg9: memref<1000xi32, #tpu.memory_space<vmem>>, %arg10: memref<8000xf32, #tpu.memory_space<vmem>>) attributes {dimension_semantics = [#tpu.dimension_semantics<core_parallel>, #tpu.dimension_semantics<subcore_parallel>], iteration_bounds = array<i64: 2, 16>, scalar_prefetch = 0 : i64, scratch_operands = 6 : i64, tpu.core_type = #tpu.core_type<sc_vector_subcore>, window_params = [{transform_indices = #map}, {transform_indices = #map1}, {transform_indices = #map}]} {
    %mul3A = arith.constant 2 : i32
    %mul3A_0 = arith.muli %arg1, %mul3A : i32
    %add3A = arith.addi %mul3A_0, %arg0 : i32
    %mul3A_1 = arith.constant 5120 : i32
    %mul3A_2 = arith.muli %arg1, %mul3A_1 : i32
    %run_scoped3A = arith.constant 0 : i32
    "tpu.region"() ({
      %run_scoped3A_46 = tpu.sem_alloc : memref<!tpu.dma_semaphore, #tpu.memory_space<semaphore_mem>>
      %dma_start3A = tpu.memref_slice %arg3[%run_scoped3A, %mul3A_2] : memref<32x81920xf32, #tpu.memory_space<hbm>> -> memref<1x5120xf32, #tpu.memory_space<hbm>>
      %dma_start3A_47 = tpu.memref_squeeze %dma_start3A : memref<1x5120xf32, #tpu.memory_space<hbm>> -> memref<5120xf32, #tpu.memory_space<hbm>>
      %dma_start3A_48 = tpu.memref_slice %arg3[%run_scoped3A, %mul3A_2] : memref<32x81920xf32, #tpu.memory_space<hbm>> -> memref<1x5120xf32, #tpu.memory_space<hbm>>
      %dma_start3A_49 = tpu.memref_squeeze %dma_start3A_48 : memref<1x5120xf32, #tpu.memory_space<hbm>> -> memref<5120xf32, #tpu.memory_space<hbm>>
      tpu.enqueue_dma source(%dma_start3A_49 : memref<5120xf32, #tpu.memory_space<hbm>>) target(%arg7 : memref<5120xf32, #tpu.memory_space<vmem>>) target_semaphore(%run_scoped3A_46 : memref<!tpu.dma_semaphore, #tpu.memory_space<semaphore_mem>>)
      %dma_wait3A = tpu.memref_slice %arg3[%run_scoped3A, %mul3A_2] : memref<32x81920xf32, #tpu.memory_space<hbm>> -> memref<1x5120xf32, #tpu.memory_space<hbm>>
      %dma_wait3A_50 = tpu.memref_squeeze %dma_wait3A : memref<1x5120xf32, #tpu.memory_space<hbm>> -> memref<5120xf32, #tpu.memory_space<hbm>>
      %dma_wait3A_51 = tpu.memref_slice %arg3[%run_scoped3A, %mul3A_2] : memref<32x81920xf32, #tpu.memory_space<hbm>> -> memref<1x5120xf32, #tpu.memory_space<hbm>>
      %dma_wait3A_52 = tpu.memref_squeeze %dma_wait3A_51 : memref<1x5120xf32, #tpu.memory_space<hbm>> -> memref<5120xf32, #tpu.memory_space<hbm>>
      tpu.wait_dma2 semaphore(%run_scoped3A_46 : memref<!tpu.dma_semaphore, #tpu.memory_space<semaphore_mem>>) src(%dma_wait3A_52 : memref<5120xf32, #tpu.memory_space<hbm>>) dst(%arg7 : memref<5120xf32, #tpu.memory_space<vmem>>)
      tpu.yield
    }) : () -> ()
    %scan3A = arith.constant 0 : i32
    %scan3A_3 = arith.constant 31 : i32
    %scan3A_4 = arith.addi %scan3A, %scan3A_3 : i32
    %scan3A_5 = arith.constant 1 : i32
    scf.for %scan3A_46 = %scan3A to %scan3A_4 step %scan3A_5  : i32 {
      %mul3A_47 = arith.constant 1 : i32
      %mul3A_48 = arith.muli %scan3A_46, %mul3A_47 : i32
      %add3A_49 = arith.constant 1 : i32
      %add3A_50 = arith.addi %add3A_49, %mul3A_48 : i32
      "tpu.region"() ({
        %run_scoped3A_56 = tpu.sem_alloc : memref<!tpu.dma_semaphore, #tpu.memory_space<semaphore_mem>>
        %dma_start3A = tpu.memref_slice %arg3[%add3A_50, %mul3A_2] : memref<32x81920xf32, #tpu.memory_space<hbm>> -> memref<1x5120xf32, #tpu.memory_space<hbm>>
        %dma_start3A_57 = tpu.memref_squeeze %dma_start3A : memref<1x5120xf32, #tpu.memory_space<hbm>> -> memref<5120xf32, #tpu.memory_space<hbm>>
        %dma_start3A_58 = tpu.memref_slice %arg3[%add3A_50, %mul3A_2] : memref<32x81920xf32, #tpu.memory_space<hbm>> -> memref<1x5120xf32, #tpu.memory_space<hbm>>
        %dma_start3A_59 = tpu.memref_squeeze %dma_start3A_58 : memref<1x5120xf32, #tpu.memory_space<hbm>> -> memref<5120xf32, #tpu.memory_space<hbm>>
        tpu.enqueue_dma source(%dma_start3A_59 : memref<5120xf32, #tpu.memory_space<hbm>>) target(%arg6 : memref<5120xf32, #tpu.memory_space<vmem>>) target_semaphore(%run_scoped3A_56 : memref<!tpu.dma_semaphore, #tpu.memory_space<semaphore_mem>>)
        %dma_wait3A = tpu.memref_slice %arg3[%add3A_50, %mul3A_2] : memref<32x81920xf32, #tpu.memory_space<hbm>> -> memref<1x5120xf32, #tpu.memory_space<hbm>>
        %dma_wait3A_60 = tpu.memref_squeeze %dma_wait3A : memref<1x5120xf32, #tpu.memory_space<hbm>> -> memref<5120xf32, #tpu.memory_space<hbm>>
        %dma_wait3A_61 = tpu.memref_slice %arg3[%add3A_50, %mul3A_2] : memref<32x81920xf32, #tpu.memory_space<hbm>> -> memref<1x5120xf32, #tpu.memory_space<hbm>>
        %dma_wait3A_62 = tpu.memref_squeeze %dma_wait3A_61 : memref<1x5120xf32, #tpu.memory_space<hbm>> -> memref<5120xf32, #tpu.memory_space<hbm>>
        tpu.wait_dma2 semaphore(%run_scoped3A_56 : memref<!tpu.dma_semaphore, #tpu.memory_space<semaphore_mem>>) src(%dma_wait3A_62 : memref<5120xf32, #tpu.memory_space<hbm>>) dst(%arg6 : memref<5120xf32, #tpu.memory_space<vmem>>)
        tpu.yield
      }) : () -> ()
      %scan3A_51 = arith.constant 0 : i32
      %scan3A_52 = arith.constant 320 : i32
      %scan3A_53 = arith.addi %scan3A_51, %scan3A_52 : i32
      %scan3A_54 = arith.constant 1 : i32
      scf.for %scan3A_56 = %scan3A_51 to %scan3A_53 step %scan3A_54  : i32 {
        %mul3A_57 = arith.constant 1 : i32
        %mul3A_58 = arith.muli %scan3A_56, %mul3A_57 : i32
        %add3A_59 = arith.constant 0 : i32
        %add3A_60 = arith.addi %add3A_59, %mul3A_58 : i32
        %mul3A_61 = arith.constant 16 : i32
        %mul3A_62 = arith.muli %add3A_60, %mul3A_61 : i32
        %get3A = arith.index_cast %mul3A_62 : i32 to index
        %get3A_63 = tpu.vector_load %arg7[%get3A] {strides = array<i32>} : memref<5120xf32, #tpu.memory_space<vmem>>, vector<16xf32>,
        %get3A_64 = arith.index_cast %mul3A_62 : i32 to index
        %get3A_65 = tpu.vector_load %arg6[%get3A_64] {strides = array<i32>} : memref<5120xf32, #tpu.memory_space<vmem>>, vector<16xf32>,
        %max3A = arith.maximumf %get3A_63, %get3A_65 : vector<16xf32>
        %swap3A = arith.index_cast %mul3A_62 : i32 to index
        %swap3A_66 = tpu.vector_load %arg7[%swap3A] {strides = array<i32>} : memref<5120xf32, #tpu.memory_space<vmem>>, vector<16xf32>,
        tpu.vector_store %arg7[%swap3A], %max3A {strides = array<i32>} : memref<5120xf32, #tpu.memory_space<vmem>>, vector<16xf32>,
      }
      %scan3A_55 = arith.constant 320 : i32
    }
    %scan3A_6 = arith.constant 31 : i32
    %scan3A_7 = arith.constant 0 : i32
    %scan3A_8 = arith.constant 320 : i32
    %scan3A_9 = arith.addi %scan3A_7, %scan3A_8 : i32
    %scan3A_10 = arith.constant 1 : i32
    scf.for %scan3A_46 = %scan3A_7 to %scan3A_9 step %scan3A_10  : i32 {
      %mul3A_47 = arith.constant 1 : i32
      %mul3A_48 = arith.muli %scan3A_46, %mul3A_47 : i32
      %add3A_49 = arith.constant 0 : i32
      %add3A_50 = arith.addi %add3A_49, %mul3A_48 : i32
      %mul3A_51 = arith.constant 16 : i32
      %mul3A_52 = arith.muli %add3A_50, %mul3A_51 : i32
      %get3A = arith.index_cast %mul3A_52 : i32 to index
      %get3A_53 = tpu.vector_load %arg7[%get3A] {strides = array<i32>} : memref<5120xf32, #tpu.memory_space<vmem>>, vector<16xf32>,
      %bitcast3A = vector.bitcast %get3A_53 : vector<16xf32> to vector<16xi32>
      %shift_right_arithmetic3A = arith.constant 1 : i32
      %shift_right_arithmetic3A_54 = vector.broadcast %shift_right_arithmetic3A : i32 to vector<16xi32>
      %shift_right_arithmetic3A_55 = arith.shrsi %bitcast3A, %shift_right_arithmetic3A_54 : vector<16xi32>
      %sub3A_56 = arith.constant 1597463007 : i32
      %sub3A_57 = vector.broadcast %sub3A_56 : i32 to vector<16xi32>
      %sub3A_58 = arith.subi %sub3A_57, %shift_right_arithmetic3A_55 : vector<16xi32>
      %bitcast3A_59 = vector.bitcast %sub3A_58 : vector<16xi32> to vector<16xf32>
      %mul3A_60 = arith.constant 5.000000e-01 : f32
      %mul3A_61 = vector.broadcast %mul3A_60 : f32 to vector<16xf32>
      %mul3A_62 = arith.mulf %mul3A_61, %get3A_53 : vector<16xf32>
      %mul3A_63 = arith.mulf %mul3A_62, %bitcast3A_59 : vector<16xf32>
      %mul3A_64 = arith.mulf %mul3A_63, %bitcast3A_59 : vector<16xf32>
      %sub3A_65 = arith.constant 1.500000e+00 : f32
      %sub3A_66 = vector.broadcast %sub3A_65 : f32 to vector<16xf32>
      %sub3A_67 = arith.subf %sub3A_66, %mul3A_64 : vector<16xf32>
      %mul3A_68 = arith.mulf %bitcast3A_59, %sub3A_67 : vector<16xf32>
      %mul3A_69 = arith.constant 5.000000e-01 : f32
      %mul3A_70 = vector.broadcast %mul3A_69 : f32 to vector<16xf32>
      %mul3A_71 = arith.mulf %mul3A_70, %get3A_53 : vector<16xf32>
      %mul3A_72 = arith.mulf %mul3A_71, %mul3A_68 : vector<16xf32>
      %mul3A_73 = arith.mulf %mul3A_72, %mul3A_68 : vector<16xf32>
      %sub3A_74 = arith.constant 1.500000e+00 : f32
      %sub3A_75 = vector.broadcast %sub3A_74 : f32 to vector<16xf32>
      %sub3A_76 = arith.subf %sub3A_75, %mul3A_73 : vector<16xf32>
      %mul3A_77 = arith.mulf %mul3A_68, %sub3A_76 : vector<16xf32>
      %mul3A_78 = arith.constant 5.000000e-01 : f32
      %mul3A_79 = vector.broadcast %mul3A_78 : f32 to vector<16xf32>
      %mul3A_80 = arith.mulf %mul3A_79, %get3A_53 : vector<16xf32>
      %mul3A_81 = arith.mulf %mul3A_80, %mul3A_77 : vector<16xf32>
      %mul3A_82 = arith.mulf %mul3A_81, %mul3A_77 : vector<16xf32>
      %sub3A_83 = arith.constant 1.500000e+00 : f32
      %sub3A_84 = vector.broadcast %sub3A_83 : f32 to vector<16xf32>
      %sub3A_85 = arith.subf %sub3A_84, %mul3A_82 : vector<16xf32>
      %mul3A_86 = arith.mulf %mul3A_77, %sub3A_85 : vector<16xf32>
      %mul3A_87 = arith.mulf %get3A_53, %mul3A_86 : vector<16xf32>
      %add3A_88 = arith.constant 2.000000e-08 : f32
      %add3A_89 = vector.broadcast %add3A_88 : f32 to vector<16xf32>
      %add3A_90 = arith.addf %mul3A_87, %add3A_89 : vector<16xf32>
      %swap3A = arith.index_cast %mul3A_52 : i32 to index
      %swap3A_91 = tpu.vector_load %arg7[%swap3A] {strides = array<i32>} : memref<5120xf32, #tpu.memory_space<vmem>>, vector<16xf32>,
      tpu.vector_store %arg7[%swap3A], %add3A_90 {strides = array<i32>} : memref<5120xf32, #tpu.memory_space<vmem>>, vector<16xf32>,
    }
    %scan3A_11 = arith.constant 320 : i32
    "tpu.region"() ({
      %run_scoped3A_46 = tpu.sem_alloc : memref<!tpu.dma_semaphore, #tpu.memory_space<semaphore_mem>>
      %dma_start3A = tpu.memref_slice %arg8[%mul3A_2] : memref<81920xf32, #tpu.memory_space<vmem_shared>> -> memref<5120xf32, #tpu.memory_space<vmem_shared>>
      %dma_start3A_47 = tpu.memref_slice %arg8[%mul3A_2] : memref<81920xf32, #tpu.memory_space<vmem_shared>> -> memref<5120xf32, #tpu.memory_space<vmem_shared>>
      tpu.enqueue_dma source(%arg7 : memref<5120xf32, #tpu.memory_space<vmem>>) target(%dma_start3A_47 : memref<5120xf32, #tpu.memory_space<vmem_shared>>) target_semaphore(%run_scoped3A_46 : memref<!tpu.dma_semaphore, #tpu.memory_space<semaphore_mem>>)
      %dma_wait3A = tpu.memref_slice %arg8[%mul3A_2] : memref<81920xf32, #tpu.memory_space<vmem_shared>> -> memref<5120xf32, #tpu.memory_space<vmem_shared>>
      %dma_wait3A_48 = tpu.memref_slice %arg8[%mul3A_2] : memref<81920xf32, #tpu.memory_space<vmem_shared>> -> memref<5120xf32, #tpu.memory_space<vmem_shared>>
      tpu.wait_dma2 semaphore(%run_scoped3A_46 : memref<!tpu.dma_semaphore, #tpu.memory_space<semaphore_mem>>) src(%arg7 : memref<5120xf32, #tpu.memory_space<vmem>>) dst(%dma_wait3A_48 : memref<5120xf32, #tpu.memory_space<vmem_shared>>)
      tpu.yield
    }) : () -> ()
    %barrier3A = arith.constant 0 : index
    tpu.barrier barrier_id(%barrier3A)
    "tpu.region"() ({
      %run_scoped3A_46 = tpu.sem_alloc : memref<!tpu.dma_semaphore, #tpu.memory_space<semaphore_mem>>
      tpu.enqueue_dma source(%arg8 : memref<81920xf32, #tpu.memory_space<vmem_shared>>) target(%arg5 : memref<81920xf32, #tpu.memory_space<vmem>>) target_semaphore(%run_scoped3A_46 : memref<!tpu.dma_semaphore, #tpu.memory_space<semaphore_mem>>)
      tpu.wait_dma2 semaphore(%run_scoped3A_46 : memref<!tpu.dma_semaphore, #tpu.memory_space<semaphore_mem>>) src(%arg8 : memref<81920xf32, #tpu.memory_space<vmem_shared>>) dst(%arg5 : memref<81920xf32, #tpu.memory_space<vmem>>)
      tpu.yield
    }) : () -> ()
    %iota3A = tpu.iota {dimensions = array<i32: 0>} : vector<16xi32>
    %jit3A = arith.constant 8 : i32
    %div3A = vector.broadcast %jit3A : i32 to vector<16xi32>
    %div3A_12 = arith.divsi %iota3A, %div3A : vector<16xi32>
    %sign3A = arith.constant 0 : i32
    %sign3A_13 = vector.broadcast %sign3A : i32 to vector<16xi32>
    %sign3A_14 = arith.cmpi sgt, %iota3A, %sign3A_13 : vector<16xi32>
    %sign3A_15 = arith.extui %sign3A_14 : vector<16xi1> to vector<16xi32>
    %sign3A_16 = arith.constant 0 : i32
    %sign3A_17 = vector.broadcast %sign3A_16 : i32 to vector<16xi32>
    %sign3A_18 = arith.cmpi slt, %iota3A, %sign3A_17 : vector<16xi32>
    %sign3A_19 = arith.extui %sign3A_18 : vector<16xi1> to vector<16xi32>
    %sign3A_20 = arith.subi %sign3A_15, %sign3A_19 : vector<16xi32>
    %sign3A_21 = arith.constant 0 : i32
    %sign3A_22 = arith.cmpi sgt, %jit3A, %sign3A_21 : i32
    %sign3A_23 = arith.extui %sign3A_22 : i1 to i32
    %sign3A_24 = arith.constant 0 : i32
    %sign3A_25 = arith.cmpi slt, %jit3A, %sign3A_24 : i32
    %sign3A_26 = arith.extui %sign3A_25 : i1 to i32
    %sign3A_27 = arith.subi %sign3A_23, %sign3A_26 : i32
    %ne3A = vector.broadcast %sign3A_27 : i32 to vector<16xi32>
    %ne3A_28 = arith.cmpi ne, %sign3A_20, %ne3A : vector<16xi32>
    %rem3A = vector.broadcast %jit3A : i32 to vector<16xi32>
    %rem3A_29 = arith.remsi %iota3A, %rem3A : vector<16xi32>
    %ne3A_30 = arith.constant 0 : i32
    %ne3A_31 = vector.broadcast %ne3A_30 : i32 to vector<16xi32>
    %ne3A_32 = arith.cmpi ne, %rem3A_29, %ne3A_31 : vector<16xi32>
    %and3A = arith.andi %ne3A_28, %ne3A_32 : vector<16xi1>
    %sub3A = arith.constant 1 : i32
    %sub3A_33 = vector.broadcast %sub3A : i32 to vector<16xi32>
    %sub3A_34 = arith.subi %div3A_12, %sub3A_33 : vector<16xi32>
    %select_n3A = arith.select %and3A, %sub3A_34, %div3A_12 : vector<16xi1>, vector<16xi32>
    %mul3A_35 = arith.constant 8 : i32
    %mul3A_36 = vector.broadcast %mul3A_35 : i32 to vector<16xi32>
    %mul3A_37 = arith.muli %select_n3A, %mul3A_36 : vector<16xi32>
    %sub3A_38 = arith.subi %iota3A, %mul3A_37 : vector<16xi32>
    %mul3A_39 = arith.constant 20000 : i32
    %mul3A_40 = arith.muli %add3A, %mul3A_39 : i32
    %scan3A_41 = arith.constant 0 : i32
    %scan3A_42 = arith.constant 20 : i32
    %scan3A_43 = arith.addi %scan3A_41, %scan3A_42 : i32
    %scan3A_44 = arith.constant 1 : i32
    scf.for %scan3A_46 = %scan3A_41 to %scan3A_43 step %scan3A_44  : i32 {
      %mul3A_47 = arith.constant 1 : i32
      %mul3A_48 = arith.muli %scan3A_46, %mul3A_47 : i32
      %add3A_49 = arith.constant 0 : i32
      %add3A_50 = arith.addi %add3A_49, %mul3A_48 : i32
      %mul3A_51 = arith.constant 1000 : i32
      %mul3A_52 = arith.muli %add3A_50, %mul3A_51 : i32
      %add3A_53 = arith.addi %mul3A_40, %mul3A_52 : i32
      "tpu.region"() ({
        %run_scoped3A_61 = tpu.sem_alloc : memref<!tpu.dma_semaphore, #tpu.memory_space<semaphore_mem>>
        %dma_start3A = tpu.memref_slice %arg2[%add3A_53] : memref<640000xi32, #tpu.memory_space<hbm>> -> memref<1000xi32, #tpu.memory_space<hbm>>
        %dma_start3A_62 = tpu.memref_slice %arg2[%add3A_53] : memref<640000xi32, #tpu.memory_space<hbm>> -> memref<1000xi32, #tpu.memory_space<hbm>>
        tpu.enqueue_dma source(%dma_start3A_62 : memref<1000xi32, #tpu.memory_space<hbm>>) target(%arg9 : memref<1000xi32, #tpu.memory_space<vmem>>) target_semaphore(%run_scoped3A_61 : memref<!tpu.dma_semaphore, #tpu.memory_space<semaphore_mem>>)
        %dma_wait3A = tpu.memref_slice %arg2[%add3A_53] : memref<640000xi32, #tpu.memory_space<hbm>> -> memref<1000xi32, #tpu.memory_space<hbm>>
        %dma_wait3A_63 = tpu.memref_slice %arg2[%add3A_53] : memref<640000xi32, #tpu.memory_space<hbm>> -> memref<1000xi32, #tpu.memory_space<hbm>>
        tpu.wait_dma2 semaphore(%run_scoped3A_61 : memref<!tpu.dma_semaphore, #tpu.memory_space<semaphore_mem>>) src(%dma_wait3A_63 : memref<1000xi32, #tpu.memory_space<hbm>>) dst(%arg9 : memref<1000xi32, #tpu.memory_space<vmem>>)
        tpu.yield
      }) : () -> ()
      %scan3A_54 = arith.constant 0 : i32
      %scan3A_55 = arith.constant 500 : i32
      %scan3A_56 = arith.addi %scan3A_54, %scan3A_55 : i32
      %scan3A_57 = arith.constant 1 : i32
      scf.for %scan3A_61 = %scan3A_54 to %scan3A_56 step %scan3A_57  : i32 {
        %mul3A_62 = arith.constant 1 : i32
        %mul3A_63 = arith.muli %scan3A_61, %mul3A_62 : i32
        %add3A_64 = arith.constant 0 : i32
        %add3A_65 = arith.addi %add3A_64, %mul3A_63 : i32
        %mul3A_66 = arith.constant 2 : i32
        %mul3A_67 = arith.muli %add3A_65, %mul3A_66 : i32
        %add3A_68 = vector.broadcast %mul3A_67 : i32 to vector<16xi32>
        %add3A_69 = arith.addi %add3A_68, %select_n3A : vector<16xi32>
        %gather3A = tpu.vector_load_idx %arg9[%add3A_69] : memref<1000xi32, #tpu.memory_space<vmem>>[vector<16xi32>], vector<16xi32>,
        %mul3A_70 = arith.constant 8 : i32
        %mul3A_71 = vector.broadcast %mul3A_70 : i32 to vector<16xi32>
        %mul3A_72 = arith.muli %gather3A, %mul3A_71 : vector<16xi32>
        %add3A_73 = arith.addi %mul3A_72, %sub3A_38 : vector<16xi32>
        %gather3A_74 = tpu.vector_load_idx %arg5[%add3A_73] : memref<81920xf32, #tpu.memory_space<vmem>>[vector<16xi32>], vector<16xf32>,
        %mul3A_75 = arith.constant 16 : i32
        %mul3A_76 = arith.muli %add3A_65, %mul3A_75 : i32
        %swap3A = arith.index_cast %mul3A_76 : i32 to index
        %swap3A_77 = tpu.vector_load %arg10[%swap3A] {strides = array<i32>} : memref<8000xf32, #tpu.memory_space<vmem>>, vector<16xf32>,
        tpu.vector_store %arg10[%swap3A], %gather3A_74 {strides = array<i32>} : memref<8000xf32, #tpu.memory_space<vmem>>, vector<16xf32>,
      }
      %scan3A_58 = arith.constant 500 : i32
      %mul3A_59 = arith.constant 8 : i32
      %mul3A_60 = arith.muli %add3A_53, %mul3A_59 : i32
      "tpu.region"() ({
        %run_scoped3A_61 = tpu.sem_alloc : memref<!tpu.dma_semaphore, #tpu.memory_space<semaphore_mem>>
        %dma_start3A = tpu.memref_slice %arg4[%mul3A_60] : memref<5120000xf32, #tpu.memory_space<hbm>> -> memref<8000xf32, #tpu.memory_space<hbm>>
        %dma_start3A_62 = tpu.memref_slice %arg4[%mul3A_60] : memref<5120000xf32, #tpu.memory_space<hbm>> -> memref<8000xf32, #tpu.memory_space<hbm>>
        tpu.enqueue_dma source(%arg10 : memref<8000xf32, #tpu.memory_space<vmem>>) target(%dma_start3A_62 : memref<8000xf32, #tpu.memory_space<hbm>>) target_semaphore(%run_scoped3A_61 : memref<!tpu.dma_semaphore, #tpu.memory_space<semaphore_mem>>)
        %dma_wait3A = tpu.memref_slice %arg4[%mul3A_60] : memref<5120000xf32, #tpu.memory_space<hbm>> -> memref<8000xf32, #tpu.memory_space<hbm>>
        %dma_wait3A_63 = tpu.memref_slice %arg4[%mul3A_60] : memref<5120000xf32, #tpu.memory_space<hbm>> -> memref<8000xf32, #tpu.memory_space<hbm>>
        tpu.wait_dma2 semaphore(%run_scoped3A_61 : memref<!tpu.dma_semaphore, #tpu.memory_space<semaphore_mem>>) src(%arg10 : memref<8000xf32, #tpu.memory_space<vmem>>) dst(%dma_wait3A_63 : memref<8000xf32, #tpu.memory_space<hbm>>)
        tpu.yield
      }) : () -> ()
    }
    %scan3A_45 = arith.constant 20 : i32
    return
  }
}

module attributes {stable_mosaic.version = 14 : i64} {
  func.func @_norm_body(%arg0: i32, %arg1: memref<6400x128xf32, #tpu.memory_space<vmem>>, %arg2: memref<6400x128xf32, #tpu.memory_space<vmem>>, %arg3: memref<6400x8xf32, #tpu.memory_space<vmem>>, %arg4: memref<6400x8xf32, #tpu.memory_space<vmem>>) attributes {dimension_semantics = [#tpu.dimension_semantics<arbitrary>], iteration_bounds = array<i64: 100>, scalar_prefetch = 0 : i64, scratch_operands = 0 : i64, tpu.core_type = #tpu.core_type<tc>, window_params = [{transform_indices = @transform_0, window_bounds = array<i64: 6400, 128>}, {transform_indices = @transform_1, window_bounds = array<i64: 6400, 128>}, {transform_indices = @transform_2, window_bounds = array<i64: 6400, 8>}, {transform_indices = @transform_3, window_bounds = array<i64: 6400, 8>}]} {
    %iota3A = tpu.iota {dimensions = array<i32: 0>} : vector<128x8xi32>
    %jit3A = arith.constant 16 : i32
    %div3A = vector.broadcast %jit3A : i32 to vector<128x8xi32>
    %div3A_0 = arith.divsi %iota3A, %div3A : vector<128x8xi32>
    %sign3A = arith.constant 0 : i32
    %sign3A_1 = vector.broadcast %sign3A : i32 to vector<128x8xi32>
    %sign3A_2 = arith.cmpi sgt, %iota3A, %sign3A_1 : vector<128x8xi32>
    %sign3A_3 = arith.extui %sign3A_2 : vector<128x8xi1> to vector<128x8xi32>
    %sign3A_4 = arith.constant 0 : i32
    %sign3A_5 = vector.broadcast %sign3A_4 : i32 to vector<128x8xi32>
    %sign3A_6 = arith.cmpi slt, %iota3A, %sign3A_5 : vector<128x8xi32>
    %sign3A_7 = arith.extui %sign3A_6 : vector<128x8xi1> to vector<128x8xi32>
    %sign3A_8 = arith.subi %sign3A_3, %sign3A_7 : vector<128x8xi32>
    %sign3A_9 = arith.constant 0 : i32
    %sign3A_10 = arith.cmpi sgt, %jit3A, %sign3A_9 : i32
    %sign3A_11 = arith.extui %sign3A_10 : i1 to i32
    %sign3A_12 = arith.constant 0 : i32
    %sign3A_13 = arith.cmpi slt, %jit3A, %sign3A_12 : i32
    %sign3A_14 = arith.extui %sign3A_13 : i1 to i32
    %sign3A_15 = arith.subi %sign3A_11, %sign3A_14 : i32
    %ne3A = vector.broadcast %sign3A_15 : i32 to vector<128x8xi32>
    %ne3A_16 = arith.cmpi ne, %sign3A_8, %ne3A : vector<128x8xi32>
    %rem3A = vector.broadcast %jit3A : i32 to vector<128x8xi32>
    %rem3A_17 = arith.remsi %iota3A, %rem3A : vector<128x8xi32>
    %ne3A_18 = arith.constant 0 : i32
    %ne3A_19 = vector.broadcast %ne3A_18 : i32 to vector<128x8xi32>
    %ne3A_20 = arith.cmpi ne, %rem3A_17, %ne3A_19 : vector<128x8xi32>
    %and3A = arith.andi %ne3A_16, %ne3A_20 : vector<128x8xi1>
    %sub3A = arith.constant 1 : i32
    %sub3A_21 = vector.broadcast %sub3A : i32 to vector<128x8xi32>
    %sub3A_22 = arith.subi %div3A_0, %sub3A_21 : vector<128x8xi32>
    %select_n3A = arith.select %and3A, %sub3A_22, %div3A_0 : vector<128x8xi1>, vector<128x8xi32>
    %iota3A_23 = tpu.iota {dimensions = array<i32: 1>} : vector<128x8xi32>
    %eq3A = arith.cmpi eq, %select_n3A, %iota3A_23 : vector<128x8xi32>
    %convert_element_type3A = arith.extui %eq3A : vector<128x8xi1> to vector<128x8xi32>
    %convert_element_type3A_24 = arith.sitofp %convert_element_type3A : vector<128x8xi32> to vector<128x8xf32>
    %get3A = arith.constant 0 : index
    %get3A_25 = arith.constant 0 : index
    %get3A_26 = vector.load %arg1[%get3A, %get3A_25] : memref<6400x128xf32, #tpu.memory_space<vmem>>, vector<6400x128xf32>
    %mul3A = arith.mulf %get3A_26, %get3A_26 : vector<6400x128xf32>
    %dot_general3A = arith.constant dense<0.000000e+00> : vector<6400x8xf32>
    %dot_general3A_27 = tpu.matmul %mul3A, %convert_element_type3A_24, %dot_general3A {dimension_numbers = #tpu.dot_dimension_numbers<[1], [0], [0], [1], [0, 0, 1, 1], [], []>, transpose_lhs_hint = false} : vector<6400x128xf32>, vector<128x8xf32>, vector<6400x8xf32> -> vector<6400x8xf32>
    %sqrt3A = math.sqrt %dot_general3A_27 : vector<6400x8xf32>
    %add3A = arith.constant 9.99999993E-9 : f32
    %add3A_28 = vector.broadcast %add3A : f32 to vector<6400x8xf32>
    %add3A_29 = arith.addf %sqrt3A, %add3A_28 : vector<6400x8xf32>
    %swap3A = arith.constant 0 : index
    %swap3A_30 = arith.constant 0 : index
    %swap3A_31 = vector.load %arg3[%swap3A, %swap3A_30] : memref<6400x8xf32, #tpu.memory_space<vmem>>, vector<6400x8xf32>
    tpu.vector_store %arg3[%swap3A, %swap3A_30], %add3A_29 {strides = array<i32>} : memref<6400x8xf32, #tpu.memory_space<vmem>>, vector<6400x8xf32>,
    %get3A_32 = arith.constant 0 : index
    %get3A_33 = arith.constant 0 : index
    %get3A_34 = vector.load %arg2[%get3A_32, %get3A_33] : memref<6400x128xf32, #tpu.memory_space<vmem>>, vector<6400x128xf32>
    %mul3A_35 = arith.mulf %get3A_34, %get3A_34 : vector<6400x128xf32>
    %dot_general3A_36 = arith.constant dense<0.000000e+00> : vector<6400x8xf32>
    %dot_general3A_37 = tpu.matmul %mul3A_35, %convert_element_type3A_24, %dot_general3A_36 {dimension_numbers = #tpu.dot_dimension_numbers<[1], [0], [0], [1], [0, 0, 1, 1], [], []>, transpose_lhs_hint = false} : vector<6400x128xf32>, vector<128x8xf32>, vector<6400x8xf32> -> vector<6400x8xf32>
    %swap3A_38 = arith.constant 0 : index
    %swap3A_39 = arith.constant 0 : index
    %swap3A_40 = vector.load %arg4[%swap3A_38, %swap3A_39] : memref<6400x8xf32, #tpu.memory_space<vmem>>, vector<6400x8xf32>
    tpu.vector_store %arg4[%swap3A_38, %swap3A_39], %dot_general3A_37 {strides = array<i32>} : memref<6400x8xf32, #tpu.memory_space<vmem>>, vector<6400x8xf32>,
    return
  }
  func.func @transform_0(%arg0: i32) -> (i32, i32) {
    %c0_i32 = arith.constant 0 : i32
    %c0_i32_0 = arith.constant 0 : i32
    return %arg0, %c0_i32 : i32, i32
  }
  func.func @transform_1(%arg0: i32) -> (i32, i32) {
    %c0_i32 = arith.constant 0 : i32
    %c0_i32_0 = arith.constant 0 : i32
    return %arg0, %c0_i32 : i32, i32
  }
  func.func @transform_2(%arg0: i32) -> (i32, i32) {
    %c0_i32 = arith.constant 0 : i32
    %c0_i32_0 = arith.constant 0 : i32
    return %arg0, %c0_i32 : i32, i32
  }
  func.func @transform_3(%arg0: i32) -> (i32, i32) {
    %c0_i32 = arith.constant 0 : i32
    %c0_i32_0 = arith.constant 0 : i32
    return %arg0, %c0_i32 : i32, i32
  }
}

module attributes {stable_mosaic.version = 14 : i64} {
  func.func @_final_body(%arg0: i32, %arg1: memref<4000x128xf32, #tpu.memory_space<vmem>>, %arg2: memref<4000x128xf32, #tpu.memory_space<vmem>>, %arg3: memref<4000x128xf32, #tpu.memory_space<vmem>>, %arg4: memref<4000x128xf32, #tpu.memory_space<vmem>>) attributes {dimension_semantics = [#tpu.dimension_semantics<arbitrary>], iteration_bounds = array<i64: 10>, scalar_prefetch = 0 : i64, scratch_operands = 0 : i64, tpu.core_type = #tpu.core_type<tc>, window_params = [{transform_indices = @transform_0, window_bounds = array<i64: 4000, 128>}, {transform_indices = @transform_1, window_bounds = array<i64: 4000, 128>}, {transform_indices = @transform_2, window_bounds = array<i64: 4000, 128>}, {transform_indices = @transform_3, window_bounds = array<i64: 4000, 128>}]} {
    %get3A = arith.constant 0 : index
    %get3A_0 = arith.constant 0 : index
    %get3A_1 = vector.load %arg2[%get3A, %get3A_0] : memref<4000x128xf32, #tpu.memory_space<vmem>>, vector<4000x128xf32>
    %get3A_2 = arith.constant 0 : index
    %get3A_3 = arith.constant 0 : index
    %get3A_4 = vector.load %arg3[%get3A_2, %get3A_3] : memref<4000x128xf32, #tpu.memory_space<vmem>>, vector<4000x128xf32>
    %add3A = arith.addf %get3A_1, %get3A_4 : vector<4000x128xf32>
    %mul3A = arith.constant 2.000000e+00 : f32
    %mul3A_5 = vector.broadcast %mul3A : f32 to vector<4000x128xf32>
    %mul3A_6 = arith.mulf %mul3A_5, %add3A : vector<4000x128xf32>
    %add3A_7 = arith.constant 9.99999993E-9 : f32
    %add3A_8 = vector.broadcast %add3A_7 : f32 to vector<4000x128xf32>
    %add3A_9 = arith.addf %mul3A_6, %add3A_8 : vector<4000x128xf32>
    %get3A_10 = arith.constant 0 : index
    %get3A_11 = arith.constant 0 : index
    %get3A_12 = vector.load %arg1[%get3A_10, %get3A_11] : memref<4000x128xf32, #tpu.memory_space<vmem>>, vector<4000x128xf32>
    %div3A = arith.divf %get3A_12, %add3A_9 : vector<4000x128xf32>
    %max3A = arith.constant -1.000000e+01 : f32
    %max3A_13 = vector.broadcast %max3A : f32 to vector<4000x128xf32>
    %max3A_14 = arith.maximumf %div3A, %max3A_13 : vector<4000x128xf32>
    %min3A = arith.constant 1.000000e+01 : f32
    %min3A_15 = vector.broadcast %min3A : f32 to vector<4000x128xf32>
    %min3A_16 = arith.minimumf %max3A_14, %min3A_15 : vector<4000x128xf32>
    %swap3A = arith.constant 0 : index
    %swap3A_17 = arith.constant 0 : index
    %swap3A_18 = vector.load %arg4[%swap3A, %swap3A_17] : memref<4000x128xf32, #tpu.memory_space<vmem>>, vector<4000x128xf32>
    tpu.vector_store %arg4[%swap3A, %swap3A_17], %min3A_16 {strides = array<i32>} : memref<4000x128xf32, #tpu.memory_space<vmem>>, vector<4000x128xf32>,
    return
  }
  func.func @transform_0(%arg0: i32) -> (i32, i32) {
    %c0_i32 = arith.constant 0 : i32
    %c0_i32_0 = arith.constant 0 : i32
    return %arg0, %c0_i32 : i32, i32
  }
  func.func @transform_1(%arg0: i32) -> (i32, i32) {
    %c0_i32 = arith.constant 0 : i32
    %c0_i32_0 = arith.constant 0 : i32
    return %arg0, %c0_i32 : i32, i32
  }
  func.func @transform_2(%arg0: i32) -> (i32, i32) {
    %c0_i32 = arith.constant 0 : i32
    %c0_i32_0 = arith.constant 0 : i32
    return %arg0, %c0_i32 : i32, i32
  }
  func.func @transform_3(%arg0: i32) -> (i32, i32) {
    %c0_i32 = arith.constant 0 : i32
    %c0_i32_0 = arith.constant 0 : i32
    return %arg0, %c0_i32 : i32, i32
  }
}

</mosaic_0001>

<sc_bundles>
// kernel: kernel.6.cloned.1.call-start
scs
__scs_entry_jumppad:
0x0: {  	(pc) =	sbr.rel $0x88, $3  }
0x1: {  	(tag) =	ssettag $0x0;
	lr =	simm.s32 $0x1  }
0x2: {  	[smem:$0x3F9D] =	sst lr;
	_ =	strace $0xD0000000  }
0x3: {  	_ = 	snop  }
0x4: {  	_ = 	snop  }
0x5: {  	_ = 	snop  }
0x6: {  	_ = 	snop  }
0x7: {  	_ = 	snop  }
__scs_overlays_trampoline_lowered:
0x8: {  	[smem:$0x3FAC] =	sst s0  }
0x9: {  	[smem:$0x3FAD] =	sst s1  }
0xa: {  	[smem:$0x3FAE] =	sst s2  }
0xb: {  	[smem:$0x3FAF] =	sst s3  }
0xc: {  	[smem:$0x3FB0] =	sst s4  }
0xd: {  	[smem:$0x3FB1] =	sst s5  }
0xe: {  	[smem:$0x3FB2] =	sst s6  }
0xf: {  	[smem:$0x3FB3] =	sst s7  }
0x10: {  	[smem:$0x3FB4] =	sst s8  }
0x11: {  	[smem:$0x3FB5] =	sst s9;
	s0 =	simm.s32 @!p0 $0x0  }
0x12: {  	s1 =	sld [smem:$0x3F9B];
	s0 =	simm.s32 @p0 $0x1  }
0x13: {  	[smem:$0x3FB6] =	sst s0;
	s0 =	simm.s32 @!p1 $0x0  }
0x14: {  	s2 =	sld [smem:$0x3F9A];
	s0 =	simm.s32 @p1 $0x1  }
0x15: {  	[smem:$0x3FB7] =	sst s0;
	s0 =	simm.s32 @!p2 $0x0  }
0x16: {  	s3 =	sld [smem:$0x3FDB];
	s0 =	simm.s32 @p2 $0x1  }
0x17: {  	s4 =	simm.s32 $0x1BF5;
	[smem:$0x3FB9] =	sst s0  }
0x18: {  	s0 =	sld [smem:$0x3F9C];
	_ =	swait.ge [sflag:s4], $0x0  }
0x19: {  	s7 =	sld [smem:$0x3F9D]  }
0x1a: {  	s8 =	sadd.s32 $0xFFFFE003, lr  }
0x1b: {  	s9 =	sadd.s32 $0xFFFFFEF7, lr;
	s5 =	simm.s32 $0xFFFFFFFF;
	p2 =	slt.u32 s8, $0xFFFFF086  }
0x1c: {  	p1 =	slt.u32 s9, $0xF7A;
	s5 =	simm.s32 @!p2 $0x0  }
0x1d: {  	s5 =	simm.s32 @p1 $0x1;
	p0 =	seq.s32 s7, s2  }
0x1e: {  	s7 =	smul.u32 @!p0 $0xF7A, s2;
	p2 =	seq.s32 @!p0 s5, $0x0  }
0x1f: {  	s9 =	smul.u32 $0xF7A, s1;
	s8 =	simm.s32 @!p0 $0x1BF5;
	p2 =	por !p2, p0  }
0x20: {  	[sflag:s8] =	ssyncset.s32 @!p0 $0xFFFFF086;
	s6 =	sadd.s32 @!p0 s3, s7;
	s7 =	simm.s32 @!p0 $0x108  }
0x21: {  	s3 =	sadd.s32 s3, s9;
	s6 =	sadd.s32 @!p0 $0x88, s6;
	s7 =	simm.s32 @p2 $0x1082  }
0x22: {  	[simem:s7], [sflag:s8] =	dma.local @!p0 [hbm:s6], $0xF7A  }
0x23: {  	s9 =	sor.u32 $0xD0000000, s2;
	s6 =	simm.s32 $0x108;
	_ =	swait.ge @!p0 [sflag:s8], $0x0  }
0x24: {  	s3 =	sadd.s32 $0x88, s3;
	s6 =	simm.s32 @!p1 $0x1082;
	[sflag:s4] =	ssyncset.s32 $0xFFFFF086  }
0x25: {  	[simem:s6], [sflag:s4] =	dma.local [hbm:s3], $0xF7A  }
0x26: {  	[smem:$0x3F9D] =	sst s1;
	(tag) =	ssettag s2;
	_ =	strace s9  }
0x27: {  	s1 =	sld [smem:$0x3FAD]  }
0x28: {  	s2 =	sld [smem:$0x3FAE]  }
0x29: {  	s4 =	sld [smem:$0x3FB0]  }
0x2a: {  	p0 =	seq.s32 s5, $0x0;
	s5 =	sld [smem:$0x3FB1]  }
0x2b: {  	s6 =	sld [smem:$0x3FB2]  }
0x2c: {  	s7 =	sld [smem:$0x3FB3]  }
0x2d: {  	s3 =	simm.s32 $0x108;
	s8 =	sld [smem:$0x3FB4]  }
0x2e: {  	s3 =	simm.s32 @!p0 $0x1082;
	s9 =	sld [smem:$0x3FB5]  }
0x2f: {  	lr =	sadd.s32 s0, s3;
	s0 =	sld [smem:$0x3FAC]  }
0x30: {  	s3 =	sld [smem:$0x3FAF]  }
0x31: {  	[smem:$0x3FB8] =	sst s10  }
0x32: {  	s10 =	sld [smem:$0x3FB6];
	_ =	sdelay $0x3  }
0x33: {  	p0 =	seq.s32 s10, $0x1;
	s10 =	sld [smem:$0x3FB8];
	_ =	sdelay $0x3  }
0x34: {  	[smem:$0x3FB8] =	sst s10  }
0x35: {  	s10 =	sld [smem:$0x3FB7];
	_ =	sdelay $0x3  }
0x36: {  	p1 =	seq.s32 s10, $0x1;
	s10 =	sld [smem:$0x3FB8];
	_ =	sdelay $0x3  }
0x37: {  	[smem:$0x3FB8] =	sst s10  }
0x38: {  	s10 =	sld [smem:$0x3FB9]  }
0x39: {  	_ = 	snop;
	(pc) =	sbr.ind lr, $3  }
0x3a: {  	_ = 	snop  }
0x3b: {  	_ = 	snop  }
0x3c: {  	p2 =	seq.s32 s10, $0x1;
	s10 =	sld [smem:$0x3FB8]  }
0x3d: {  	_ =	shalt  }
0x3e: {  	_ =	shalt  }
0x3f: {  	_ =	shalt  }
0x40: {  	_ =	shalt  }
0x41: {  	_ =	shalt  }
0x42: {  	_ =	shalt  }
0x43: {  	_ =	shalt  }
0x44: {  	_ =	shalt  }
0x45: {  	_ =	shalt  }
0x46: {  	_ =	shalt  }
0x47: {  	_ =	shalt  }
0x48: {  	_ =	shalt  }
0x49: {  	_ =	shalt  }
0x4a: {  	_ =	shalt  }
0x4b: {  	_ =	shalt  }
0x4c: {  	_ =	shalt  }
0x4d: {  	_ =	shalt  }
0x4e: {  	_ =	shalt  }
0x4f: {  	_ =	shalt  }
0x50: {  	_ =	shalt  }
0x51: {  	_ =	shalt  }
0x52: {  	_ =	shalt  }
0x53: {  	_ =	shalt  }
0x54: {  	_ =	shalt  }
0x55: {  	_ =	shalt  }
0x56: {  	_ =	shalt  }
0x57: {  	_ =	shalt  }
0x58: {  	_ =	shalt  }
0x59: {  	_ =	shalt  }
0x5a: {  	_ =	shalt  }
0x5b: {  	_ =	shalt  }
0x5c: {  	_ =	shalt  }
0x5d: {  	_ =	shalt  }
0x5e: {  	_ =	shalt  }
0x5f: {  	_ =	shalt  }
0x60: {  	_ =	shalt  }
0x61: {  	_ =	shalt  }
0x62: {  	_ =	shalt  }
0x63: {  	_ =	shalt  }
0x64: {  	_ =	shalt  }
0x65: {  	_ =	shalt  }
0x66: {  	_ =	shalt  }
0x67: {  	_ =	shalt  }
0x68: {  	_ =	shalt  }
0x69: {  	_ =	shalt  }
0x6a: {  	_ =	shalt  }
0x6b: {  	_ =	shalt  }
0x6c: {  	_ =	shalt  }
0x6d: {  	_ =	shalt  }
0x6e: {  	_ =	shalt  }
0x6f: {  	_ =	shalt  }
0x70: {  	_ =	shalt  }
0x71: {  	_ =	shalt  }
0x72: {  	_ =	shalt  }
0x73: {  	_ =	shalt  }
0x74: {  	_ =	shalt  }
0x75: {  	_ =	shalt  }
0x76: {  	_ =	shalt  }
0x77: {  	_ =	shalt  }
0x78: {  	_ =	shalt  }
0x79: {  	_ =	shalt  }
0x7a: {  	_ =	shalt  }
0x7b: {  	_ =	shalt  }
0x7c: {  	_ =	shalt  }
0x7d: {  	_ =	shalt  }
0x7e: {  	_ =	shalt  }
0x7f: {  	_ =	shalt  }
0x80: {  	_ =	shalt  }
0x81: {  	_ =	shalt  }
0x82: {  	_ =	shalt  }
0x83: {  	_ =	shalt  }
0x84: {  	_ =	shalt  }
0x85: {  	_ =	shalt  }
0x86: {  	_ =	shalt  }
0x87: {  	_ =	shalt  }
.Lfunc_end0:
.L_simem_size_0:
called_computation_lowered:
.L_overlay_start_0:
0x88: {  	s2 =	sld [smem:$0x3FD9]  }
0x89: {  	s3 =	sld [smem:$0x3FFE];
	_ =	sdelay $0x1  }
0x8a: {  	s1 =	srdreg.scid  }
0x8b: {  	s0 =	sand.u32 $0x1, s1  }
0x8c: {  	s17 =	sshll.u32 s0, $0xA;
	s2 =	sadd.s32 s3, s2  }
0x8d: {  	s2 =	sadd.s32 s2, s17  }
0x8e: {  	[smem:$0x3FC4] =	sst s2  }
0x8f: {  	_ = 	snop  }
0x90: {  	s2 =	sld [smem:$0x3FC6]  }
0x91: {  	s18 =	sld [smem:$0x3FD0];
	(tm) =	ssettm $0x1  }
0x92: {  	s4 =	sld [smem:$0x3FFB];
	_ =	sdelay $0x3  }
0x93: {  	_ =	strace s4  }
0x94: {  	s4 =	sld [smem:$0x3FFC];
	_ =	sdelay $0x3  }
0x95: {  	_ =	strace s4  }
0x96: {  	s4 =	sld [smem:$0x3FFD];
	_ =	sdelay $0x3  }
0x97: {  	_ =	strace s4  }
0x98: {  	_ =	strace $0x8FFFFFFF  }
0x99: {  	s19 =	sld [smem:$0x3FDB];
	_ =	sdelay $0x1  }
0x9a: {  	s5 =	simm.s32 $_scs_section_size  }
0x9b: {  	s6 =	simm.s32 $_size__tile_overlayer_lowered;
	s7 =	simm.s32 $_tile_overlayer_lowered  }
0x9c: {  	s22 =	simm.s32 $0x1BFF;
	s21 =	sshll.u32 s7, $0x1;
	s4 =	sadd.s32 s5, s19  }
0x9d: {  	s8 =	simm.s32 $0x0;
	s20 =	sshll.u32 s6, $0x1;
	s6 =	sadd.s32 s21, s4  }
0x9e: {  	[timem:s8], [sflag:s22] =	dma.local [hbm:s6], s20  }
0x9f: {  	_ =	swait.ge [sflag:s22], s20  }
0xa0: {  	s5 =	ssub.s32 $0x0, s20;
	[sflag:s22] =	ssyncset.done $0x0  }
0xa1: {  	[sflag:s22] =	ssyncadd.s32 s5;
	_ =	sdelay $0x1  }
0xa2: {  	s23 =	simm.s32 $0x1B8B  }
0xa3: {  	_ =	swait.ge [sflag:s23], $0x1  }
0xa4: {  	[sflag:s23] =	ssyncset.done $0x0  }
0xa5: {  	s25 =	simm.s32 $0x1B8E;
	s24 =	sld [smem:$0x3FFE];
	[sflag:s23] =	ssyncadd.s32 $0xFFFFFFFF  }
0xa6: {  	s26 =	simm.s32 $execute0_lowered;
	[smem:$0x3FD2] =	sst s25  }
0xa7: {  	s6 =	sshll.u32 s26, $0x1;
	_ =	strace $0x80000046;
	[dreg:$0x1] =	wrdreg $0xFFFFFFFF  }
0xa8: {  	s28 =	simm.s32 $_size_execute0_lowered;
	s4 =	sadd.s32 s4, s6;
	[dreg:$0x0] =	wrdreg $0x0  }
0xa9: {  	s6 =	sshll.u32 s28, $0x1;
	[dreg:$0x2] =	wrdreg s4  }
0xaa: {  	[dreg:$0x3] =	wrdreg s6  }
0xab: {  	[dreg:$0x4] =	wrdreg $0xC0  }
0xac: {  	_ =	task [dreg:s8], $0x5FFFF  }
0xad: {  	[dreg:$0x1] =	wrdreg $0xFFFFFFFF  }
0xae: {  	[dreg:$0x0] =	wrdreg $0x60  }
0xaf: {  	[dreg:$0x2] =	wrdreg s2  }
0xb0: {  	[dreg:$0x3] =	wrdreg s18  }
0xb1: {  	[dreg:$0x4] =	wrdreg s24  }
0xb2: {  	[dreg:$0x5] =	wrdreg $0x9  }
0xb3: {  	_ =	task.clear_ibuf [dreg:s8], $0x6FFFF;
	_ =	strace $0x90000046  }
0xb4: {  	s29 =	simm.s32 $0x9;
	_ =	strace $0x80000048  }
0xb5: {  	_ =	swait.ge [sflag:s29], $0x1  }
0xb6: {  	[sflag:s29] =	ssyncadd.s32 $0xFFFFFFFF  }
0xb7: {  	_ =	strace $0x90000048  }
0xb8: {  	_ =	sfence  }
0xb9: {  	s30 =	sld [smem:$0x0];
	_ =	sdelay $0x2  }
0xba: {  	s31 =	sshll.u32 s1, $0xD;
	s1 =	sshrl.u32 s1, $0x2  }
0xbb: {  	s3 =	sand.u32 $0x4000, s31;
	s1 =	sadd.s32 s1, s30  }
0xbc: {  	s0 =	sor.u32 s3, s0;
	s1 =	sshll.u32 s1, $0x11  }
0xbd: {  	s0 =	sor.u32 s1, s0  }
0xbe: {  	s0 =	sadd.s32 $0x8F2B, s0  }
0xbf: {  	[sflag:s0] =	ssyncadd.remote.s32 $0x1  }
0xc0: {  	_ =	sfence.sel $0xFFFF  }
0xc1: {  	[dreg:$0x0] =	wrdreg $0xFFFFFFFF;
	(pc) =	sbr.abs _section_cstart, $3  }
0xc2: {  	[dreg:$0x1] =	wrdreg $0xFFFFFFFF  }
0xc3: {  	_ =	task.clear_ibuf [dreg:s8], $0x2FFFF;
	_ =	strace $0x9FFFFFFF  }
0xc4: {  	(tm) =	ssettm $0x7FFFFFFF  }
0xc5: {  	_ =	shalt  }
tec
execute0_lowered:
.L_overlay_start_1:
0x0: {  	(tag) =	ssettag $0x1  }
0x1: {  	s1 =	srdreg.scid  }
0x2: {  	s0 =	stileid.u32;
	s3 =	rddreg [dreg:$0x1]  }
0x3: {  	s8 =	rddreg [dreg:$0x2];
	s4 =	simm.s32 $0x0;
	s10 =	simm.s32 $0x80  }
0x4: {  	s11 =	simm.s32 $0x400;
	s5 =	sand.u32 $0x1, s1;
	s2 =	sshll.u32 s0, $0x1  }
0x5: {  	s1 =	rddreg [dreg:$0x0];
	s29 =	sshrl.u32 s0, $0x2;
	s6 =	sor.u32 s5, s2  }
0x6: {  	[smem:$0x7FF] =	sst s4;
	s7 =	smul.u32 $0xA0000, s29;
	s30 =	sshll.u32 s6, $0x7  }
0x7: {  	s12 =	simm.s32 $0x0;
	s2 =	rddreg [dreg:$0x3];
	s9 =	sand.u32 $0x380, s30  }
0x8: {  	s5 =	ssub.s32 $0x2, s5;
	_ =	strace $0x80000047;
	s7 =	sor.u32 s7, s9  }
0x9: {  	s31 =	sshrl.u32 s5, $0x1;
	s9 =	simm.s32 $0x1;
	s7 =	sshrl.u32 s7, $0x3  }
0xa: {  	v2 =	vlaneseq.u32;
	s7 =	sadd.s32 s7, s8;
	s8 =	ssub.s32 s5, s31;
	s5 =	smul.u32 $0x4E20, s6  }
0xb: {  	v0 =	vimm.f32 $0.0e+00;
	v1 =	vshrl.u32 v2, $0x3;
	v2 =	vand.u32 $0x7, v2;
	s6 =	sadd.s32 $0x1E00, s7;
	s7 =	smax.u32 s8, $0x1;
	s8 =	simm.s32 $0x14000  }
.LBB2_1:
0xc: {  	s13 =	simm.s32 $0x40;
	s14 =	simm.s32 $0x0  }
.LBB2_2:
0xd: {  	p0 =	sne.s32 s13, $0x4FFC0;
	[tilespmem:s14+$0x0] =	vst v0;
	s14 =	smov.u32 s13;
	s13 =	sadd.s32 $0x40, s13  }
.Ltmp0:
0xe: {  	(pc) =	sbr.rel @p0 .LBB2_2-.Ltmp0, $2  }
0xf: {  	_ =	sdelay $0x2  }
0x10: {  	s14 =	sshra.s32 s14, $0x2  }
0x11: {  	[tilespmem:s14+$0x0] =	vst v0;
	s13 =	simm.s32 $0x0;
	s14 =	simm.s32 $0x0  }
.LBB2_4:
0x12: {  	s15 =	smul.u32 $0x3E8, s14;
	_ =	sdelay $0x1  }
0x13: {  	s15 =	sadd.s32 s5, s15  }
0x14: {  	s16 =	sshrl.u32 s15, $0x3  }
0x15: {  	s16 =	sadd.s32 s1, s16  }
0x16: {  	[tilespmem:s8], [sflag:$0x1] =	stream.linear.gather [hbm4b:s16+s13], $0x3E8, $0x38;
	[tilespmem:$0x16380] =	vst v63  }
0x17: {  	_ =	swait.ge [sflag:s9], $0x3E8  }
0x18: {  	[sflag:s9] =	ssyncset.done $0x0  }
0x19: {  	s31 =	sadd.s32 s3, s15;
	s15 =	simm.s32 $0x14400;
	[sflag:s9] =	ssyncadd.s32 $0xFFFFFC18  }
0x1a: {  	[tilespmem:s15], [sflag:$0x1] =	stream.linear.gather [hbm4b:s31+s13], $0x1F40, $0x38;
	[tilespmem:$0x16380] =	vst v63  }
0x1b: {  	_ =	swait.ge [sflag:s9], $0x1F40  }
0x1c: {  	[sflag:s9] =	ssyncset.done $0x0  }
0x1d: {  	s16 =	simm.s32 $0x0;
	[sflag:s9] =	ssyncadd.s32 $0xFFFFE0C0  }
.LBB2_5:
0x1e: {  	v3 =	vor.u32 s16, v1;
	_ =	sdelay $0x4  }
0x1f: {  	v3 =	vld.idx.msk [tilespmem:v3+s8+$0x0], $0xffff;
	_ =	sdelay $0x4  }
0x20: {  	v3 =	vshll.u32 v3, $0x3  }
0x21: {  	v3 =	vor.u32 v2, v3;
	_ =	sdelay $0x3  }
0x22: {  	v4 =	vld [tilespmem:s15+$0x0]  }
0x23: {  	v5 =	vld.idx.msk [tilespmem:v3+s4+$0x0], $0xffff;
	_ =	sdelay $0x4  }
0x24: {  	v5 =	vmax.f32 v5, v4  }
0x25: {  	[tilespmem:v3+s4+$0x0] =	vst.idx.msk $0xffff, v5  }
0x26: {  	v5 =	vld.idx.msk [tilespmem:v3+s4+$0x0], $0xffff;
	_ =	sdelay $0x4  }
0x27: {  	vm0 =	vlt.f32 v5, v4  }
0x28: {  	p0 =	sne.s32 s16, $0x3E6  }
.Ltmp1:
0x29: {  	_ = 	snop;
	(pc) =	sbr.rel @p0 .LBB2_5-.Ltmp1, $3  }
0x2a: {  	_ =	sdelay $0x1  }
0x2b: {  	v4 =	vmax.f32 v5, v4  }
0x2c: {  	s15 =	sadd.s32 $0x10, s15;
	s16 =	sadd.s32 $0x2, s16;
	[tilespmem:v3+s4+$0x0] =	vst.idx.msk vm0, v4  }
0x2d: {  	s14 =	sadd.s32 $0x1, s14  }
0x2e: {  	p0 =	sne.s32 s14, $0x14  }
.Ltmp2:
0x2f: {  	_ = 	snop;
	(pc) =	sbr.rel @p0 .LBB2_4-.Ltmp2, $1  }
0x30: {  	_ =	sdelay $0x3  }
0x31: {  	s12 =	sadd.s32 $0x1, s12  }
0x32: {  	p0 =	sne.s32 s12, s7  }
.Ltmp3:
0x33: {  	_ = 	snop;
	(pc) =	sbr.rel @p0 .LBB2_1-.Ltmp3, $4  }
0x34: {  	[hbm4b:s6+s10] =	stream.strided.scatter [tilespmem:s4], [sflag:$0x1], $0x14000, s11, s10, $0x38;
	[tilespmem:$0x16380] =	vst v63  }
0x35: {  	_ =	swait.ge [sflag:s9], $0x14000  }
0x36: {  	[sflag:s9] =	ssyncset.done $0x0  }
0x37: {  	[sflag:s9] =	ssyncadd.s32 $0xFFFEC000  }
0x38: {  	_ =	sfence.sel $0x180000  }
0x39: {  	[bflag:$0x0] =	sbarrier.arrive $0xFFFF  }
0x3a: {  	p0 =	sne.s32 s0, $0x0;
	_ =	strace $0x90000047  }
0x3b: {  	s0 =	sadd.s32 @!p0 $0x100000, s2;
	[bflag:$0x2] =	sbarrier.arrive $0xFFFF  }
0x3c: {  	[sflag:s0] =	ssyncadd.tile.s32 @!p0 $0x1;
	_ =	shalt  }
.Lfunc_end2:
_tile_overlayer_lowered:
.L_overlay_start_2:
0x3d: {  	(tag) =	ssettag $0x2  }
0x3e: {  	s0 =	rddreg [dreg:$0x0];
	s2 =	stileid.u32  }
0x3f: {  	s1 =	rddreg [dreg:$0x1];
	p0 =	sne.s32 s2, $0x0  }
0x40: {  	s3 =	rddreg [dreg:$0x2];
	[bflag:$0x3] =	sbarrier.arrive $0xFFFF;
	s2 =	simm.s32 @!p0 $0x1C01  }
0x41: {  	[timem:s3], [sflag:s2] =	dma.local @!p0 [hbm:s0], s1  }
0x42: {  	s0 =	simm.s32 @!p0 $0x1  }
0x43: {  	_ =	swait.ge @!p0 [sflag:s0], s1  }
0x44: {  	s1 =	ssub.s32 @!p0 $0x0, s1;
	[sflag:s0] =	ssyncset.done @!p0 $0x0  }
0x45: {  	[sflag:s0] =	ssyncadd.s32 @!p0 s1  }
0x46: {  	[bflag:$0x3] =	sbarrier.arrive $0xFFFF  }
0x47: {  	_ =	shalt  }

// kernel: kernel.9.cloned.1.call-start
scs
__scs_entry_jumppad:
0x0: {  	(pc) =	sbr.rel $0x88, $3  }
0x1: {  	(tag) =	ssettag $0x0;
	lr =	simm.s32 $0x1  }
0x2: {  	[smem:$0x3F9D] =	sst lr;
	_ =	strace $0xD0000000  }
0x3: {  	_ = 	snop  }
0x4: {  	_ = 	snop  }
0x5: {  	_ = 	snop  }
0x6: {  	_ = 	snop  }
0x7: {  	_ = 	snop  }
__scs_overlays_trampoline_lowered:
0x8: {  	[smem:$0x3FAC] =	sst s0  }
0x9: {  	[smem:$0x3FAD] =	sst s1  }
0xa: {  	[smem:$0x3FAE] =	sst s2  }
0xb: {  	[smem:$0x3FAF] =	sst s3  }
0xc: {  	[smem:$0x3FB0] =	sst s4  }
0xd: {  	[smem:$0x3FB1] =	sst s5  }
0xe: {  	[smem:$0x3FB2] =	sst s6  }
0xf: {  	[smem:$0x3FB3] =	sst s7  }
0x10: {  	[smem:$0x3FB4] =	sst s8  }
0x11: {  	[smem:$0x3FB5] =	sst s9;
	s0 =	simm.s32 @!p0 $0x0  }
0x12: {  	s1 =	sld [smem:$0x3F9B];
	s0 =	simm.s32 @p0 $0x1  }
0x13: {  	[smem:$0x3FB6] =	sst s0;
	s0 =	simm.s32 @!p1 $0x0  }
0x14: {  	s2 =	sld [smem:$0x3F9A];
	s0 =	simm.s32 @p1 $0x1  }
0x15: {  	[smem:$0x3FB7] =	sst s0;
	s0 =	simm.s32 @!p2 $0x0  }
0x16: {  	s3 =	sld [smem:$0x3FDB];
	s0 =	simm.s32 @p2 $0x1  }
0x17: {  	s4 =	simm.s32 $0x1BF5;
	[smem:$0x3FB9] =	sst s0  }
0x18: {  	s0 =	sld [smem:$0x3F9C];
	_ =	swait.ge [sflag:s4], $0x0  }
0x19: {  	s7 =	sld [smem:$0x3F9D]  }
0x1a: {  	s8 =	sadd.s32 $0xFFFFE003, lr  }
0x1b: {  	s9 =	sadd.s32 $0xFFFFFEF7, lr;
	s5 =	simm.s32 $0xFFFFFFFF;
	p2 =	slt.u32 s8, $0xFFFFF086  }
0x1c: {  	p1 =	slt.u32 s9, $0xF7A;
	s5 =	simm.s32 @!p2 $0x0  }
0x1d: {  	s5 =	simm.s32 @p1 $0x1;
	p0 =	seq.s32 s7, s2  }
0x1e: {  	s7 =	smul.u32 @!p0 $0xF7A, s2;
	p2 =	seq.s32 @!p0 s5, $0x0  }
0x1f: {  	s9 =	smul.u32 $0xF7A, s1;
	s8 =	simm.s32 @!p0 $0x1BF5;
	p2 =	por !p2, p0  }
0x20: {  	[sflag:s8] =	ssyncset.s32 @!p0 $0xFFFFF086;
	s6 =	sadd.s32 @!p0 s3, s7;
	s7 =	simm.s32 @!p0 $0x108  }
0x21: {  	s3 =	sadd.s32 s3, s9;
	s6 =	sadd.s32 @!p0 $0x88, s6;
	s7 =	simm.s32 @p2 $0x1082  }
0x22: {  	[simem:s7], [sflag:s8] =	dma.local @!p0 [hbm:s6], $0xF7A  }
0x23: {  	s9 =	sor.u32 $0xD0000000, s2;
	s6 =	simm.s32 $0x108;
	_ =	swait.ge @!p0 [sflag:s8], $0x0  }
0x24: {  	s3 =	sadd.s32 $0x88, s3;
	s6 =	simm.s32 @!p1 $0x1082;
	[sflag:s4] =	ssyncset.s32 $0xFFFFF086  }
0x25: {  	[simem:s6], [sflag:s4] =	dma.local [hbm:s3], $0xF7A  }
0x26: {  	[smem:$0x3F9D] =	sst s1;
	(tag) =	ssettag s2;
	_ =	strace s9  }
0x27: {  	s1 =	sld [smem:$0x3FAD]  }
0x28: {  	s2 =	sld [smem:$0x3FAE]  }
0x29: {  	s4 =	sld [smem:$0x3FB0]  }
0x2a: {  	p0 =	seq.s32 s5, $0x0;
	s5 =	sld [smem:$0x3FB1]  }
0x2b: {  	s6 =	sld [smem:$0x3FB2]  }
0x2c: {  	s7 =	sld [smem:$0x3FB3]  }
0x2d: {  	s3 =	simm.s32 $0x108;
	s8 =	sld [smem:$0x3FB4]  }
0x2e: {  	s3 =	simm.s32 @!p0 $0x1082;
	s9 =	sld [smem:$0x3FB5]  }
0x2f: {  	lr =	sadd.s32 s0, s3;
	s0 =	sld [smem:$0x3FAC]  }
0x30: {  	s3 =	sld [smem:$0x3FAF]  }
0x31: {  	[smem:$0x3FB8] =	sst s10  }
0x32: {  	s10 =	sld [smem:$0x3FB6];
	_ =	sdelay $0x3  }
0x33: {  	p0 =	seq.s32 s10, $0x1;
	s10 =	sld [smem:$0x3FB8];
	_ =	sdelay $0x3  }
0x34: {  	[smem:$0x3FB8] =	sst s10  }
0x35: {  	s10 =	sld [smem:$0x3FB7];
	_ =	sdelay $0x3  }
0x36: {  	p1 =	seq.s32 s10, $0x1;
	s10 =	sld [smem:$0x3FB8];
	_ =	sdelay $0x3  }
0x37: {  	[smem:$0x3FB8] =	sst s10  }
0x38: {  	s10 =	sld [smem:$0x3FB9]  }
0x39: {  	_ = 	snop;
	(pc) =	sbr.ind lr, $3  }
0x3a: {  	_ = 	snop  }
0x3b: {  	_ = 	snop  }
0x3c: {  	p2 =	seq.s32 s10, $0x1;
	s10 =	sld [smem:$0x3FB8]  }
0x3d: {  	_ =	shalt  }
0x3e: {  	_ =	shalt  }
0x3f: {  	_ =	shalt  }
0x40: {  	_ =	shalt  }
0x41: {  	_ =	shalt  }
0x42: {  	_ =	shalt  }
0x43: {  	_ =	shalt  }
0x44: {  	_ =	shalt  }
0x45: {  	_ =	shalt  }
0x46: {  	_ =	shalt  }
0x47: {  	_ =	shalt  }
0x48: {  	_ =	shalt  }
0x49: {  	_ =	shalt  }
0x4a: {  	_ =	shalt  }
0x4b: {  	_ =	shalt  }
0x4c: {  	_ =	shalt  }
0x4d: {  	_ =	shalt  }
0x4e: {  	_ =	shalt  }
0x4f: {  	_ =	shalt  }
0x50: {  	_ =	shalt  }
0x51: {  	_ =	shalt  }
0x52: {  	_ =	shalt  }
0x53: {  	_ =	shalt  }
0x54: {  	_ =	shalt  }
0x55: {  	_ =	shalt  }
0x56: {  	_ =	shalt  }
0x57: {  	_ =	shalt  }
0x58: {  	_ =	shalt  }
0x59: {  	_ =	shalt  }
0x5a: {  	_ =	shalt  }
0x5b: {  	_ =	shalt  }
0x5c: {  	_ =	shalt  }
0x5d: {  	_ =	shalt  }
0x5e: {  	_ =	shalt  }
0x5f: {  	_ =	shalt  }
0x60: {  	_ =	shalt  }
0x61: {  	_ =	shalt  }
0x62: {  	_ =	shalt  }
0x63: {  	_ =	shalt  }
0x64: {  	_ =	shalt  }
0x65: {  	_ =	shalt  }
0x66: {  	_ =	shalt  }
0x67: {  	_ =	shalt  }
0x68: {  	_ =	shalt  }
0x69: {  	_ =	shalt  }
0x6a: {  	_ =	shalt  }
0x6b: {  	_ =	shalt  }
0x6c: {  	_ =	shalt  }
0x6d: {  	_ =	shalt  }
0x6e: {  	_ =	shalt  }
0x6f: {  	_ =	shalt  }
0x70: {  	_ =	shalt  }
0x71: {  	_ =	shalt  }
0x72: {  	_ =	shalt  }
0x73: {  	_ =	shalt  }
0x74: {  	_ =	shalt  }
0x75: {  	_ =	shalt  }
0x76: {  	_ =	shalt  }
0x77: {  	_ =	shalt  }
0x78: {  	_ =	shalt  }
0x79: {  	_ =	shalt  }
0x7a: {  	_ =	shalt  }
0x7b: {  	_ =	shalt  }
0x7c: {  	_ =	shalt  }
0x7d: {  	_ =	shalt  }
0x7e: {  	_ =	shalt  }
0x7f: {  	_ =	shalt  }
0x80: {  	_ =	shalt  }
0x81: {  	_ =	shalt  }
0x82: {  	_ =	shalt  }
0x83: {  	_ =	shalt  }
0x84: {  	_ =	shalt  }
0x85: {  	_ =	shalt  }
0x86: {  	_ =	shalt  }
0x87: {  	_ =	shalt  }
.Lfunc_end0:
.L_simem_size_0:
called_computation.1_lowered:
.L_overlay_start_0:
0x88: {  	s2 =	sld [smem:$0x3FD9]  }
0x89: {  	s3 =	sld [smem:$0x3FFE];
	_ =	sdelay $0x1  }
0x8a: {  	s1 =	srdreg.scid  }
0x8b: {  	s0 =	sand.u32 $0x1, s1  }
0x8c: {  	s17 =	sshll.u32 s0, $0xA;
	s2 =	sadd.s32 s3, s2  }
0x8d: {  	s2 =	sadd.s32 s2, s17  }
0x8e: {  	[smem:$0x3FC4] =	sst s2  }
0x8f: {  	_ = 	snop  }
0x90: {  	s2 =	sld [smem:$0x3FC6];
	(tm) =	ssettm $0x1  }
0x91: {  	s18 =	sld [smem:$0x3FFB];
	_ =	sdelay $0x3  }
0x92: {  	_ =	strace s18  }
0x93: {  	s3 =	sld [smem:$0x3FFC];
	_ =	sdelay $0x3  }
0x94: {  	_ =	strace s3  }
0x95: {  	s3 =	sld [smem:$0x3FFD];
	_ =	sdelay $0x3  }
0x96: {  	_ =	strace s3  }
0x97: {  	_ =	strace $0x8FFFFFFF  }
0x98: {  	s19 =	sld [smem:$0x3FDB];
	_ =	sdelay $0x1  }
0x99: {  	s4 =	simm.s32 $_scs_section_size  }
0x9a: {  	s5 =	simm.s32 $_size__tile_overlayer_lowered;
	s6 =	simm.s32 $_tile_overlayer_lowered  }
0x9b: {  	s22 =	simm.s32 $0x1BFF;
	s21 =	sshll.u32 s6, $0x1;
	s3 =	sadd.s32 s4, s19  }
0x9c: {  	s7 =	simm.s32 $0x0;
	s20 =	sshll.u32 s5, $0x1;
	s5 =	sadd.s32 s21, s3  }
0x9d: {  	[timem:s7], [sflag:s22] =	dma.local [hbm:s5], s20  }
0x9e: {  	_ =	swait.ge [sflag:s22], s20  }
0x9f: {  	s4 =	ssub.s32 $0x0, s20;
	[sflag:s22] =	ssyncset.done $0x0  }
0xa0: {  	[sflag:s22] =	ssyncadd.s32 s4;
	_ =	sdelay $0x1  }
0xa1: {  	s23 =	simm.s32 $0x1B8B  }
0xa2: {  	_ =	swait.ge [sflag:s23], $0x1  }
0xa3: {  	[sflag:s23] =	ssyncset.done $0x0  }
0xa4: {  	s25 =	simm.s32 $0x1B8E;
	s24 =	sld [smem:$0x3FFE];
	[sflag:s23] =	ssyncadd.s32 $0xFFFFFFFF  }
0xa5: {  	s26 =	simm.s32 $execute0_lowered;
	[smem:$0x3FD2] =	sst s25  }
0xa6: {  	s5 =	sshll.u32 s26, $0x1;
	_ =	strace $0x80000049;
	[dreg:$0x1] =	wrdreg $0xFFFFFFFF  }
0xa7: {  	s28 =	simm.s32 $_size_execute0_lowered;
	s3 =	sadd.s32 s3, s5;
	[dreg:$0x0] =	wrdreg $0x0  }
0xa8: {  	s5 =	sshll.u32 s28, $0x1;
	[dreg:$0x2] =	wrdreg s3  }
0xa9: {  	[dreg:$0x3] =	wrdreg s5  }
0xaa: {  	[dreg:$0x4] =	wrdreg $0xC0  }
0xab: {  	_ =	task [dreg:s7], $0x5FFFF  }
0xac: {  	[dreg:$0x1] =	wrdreg $0xFFFFFFFF  }
0xad: {  	[dreg:$0x0] =	wrdreg $0x60  }
0xae: {  	[dreg:$0x2] =	wrdreg s2  }
0xaf: {  	[dreg:$0x3] =	wrdreg s24  }
0xb0: {  	[dreg:$0x4] =	wrdreg $0x168000  }
0xb1: {  	[dreg:$0x5] =	wrdreg $0x9  }
0xb2: {  	_ =	task.clear_ibuf [dreg:s7], $0x6FFFF;
	_ =	strace $0x90000049  }
0xb3: {  	s29 =	simm.s32 $0x9;
	_ =	strace $0x8000004B  }
0xb4: {  	_ =	swait.ge [sflag:s29], $0x1  }
0xb5: {  	[sflag:s29] =	ssyncadd.s32 $0xFFFFFFFF  }
0xb6: {  	_ =	strace $0x9000004B  }
0xb7: {  	_ =	sfence  }
0xb8: {  	s30 =	sld [smem:$0x0];
	_ =	sdelay $0x2  }
0xb9: {  	s31 =	sshll.u32 s1, $0xD;
	s1 =	sshrl.u32 s1, $0x2  }
0xba: {  	s3 =	sand.u32 $0x4000, s31;
	s1 =	sadd.s32 s1, s30  }
0xbb: {  	s0 =	sor.u32 s3, s0;
	s1 =	sshll.u32 s1, $0x11  }
0xbc: {  	s0 =	sor.u32 s1, s0  }
0xbd: {  	s0 =	sadd.s32 $0x8F2B, s0  }
0xbe: {  	[sflag:s0] =	ssyncadd.remote.s32 $0x1  }
0xbf: {  	_ =	sfence.sel $0xFFFF  }
0xc0: {  	[dreg:$0x0] =	wrdreg $0xFFFFFFFF;
	(pc) =	sbr.abs _section_cstart, $3  }
0xc1: {  	[dreg:$0x1] =	wrdreg $0xFFFFFFFF  }
0xc2: {  	_ =	task.clear_ibuf [dreg:s7], $0x2FFFF;
	_ =	strace $0x9FFFFFFF  }
0xc3: {  	(tm) =	ssettm $0x7FFFFFFF  }
tec
execute0_lowered:
.L_overlay_start_1:
0x0: {  	(tag) =	ssettag $0x1  }
0x1: {  	s1 =	rddreg [dreg:$0x0]  }
0x2: {  	s7 =	rddreg [dreg:$0x1]  }
0x3: {  	s2 =	rddreg [dreg:$0x2]  }
0x4: {  	s0 =	rddreg [dreg:$0x3];
	s4 =	simm.s32 $0x0;
	s5 =	srdreg.scid  }
0x5: {  	s3 =	stileid.u32;
	s13 =	simm.s32 $0x400;
	s14 =	simm.s32 $0x15400  }
0x6: {  	s15 =	simm.s32 $0x1;
	s16 =	simm.s32 $0x14000;
	s17 =	simm.s32 $0x17C00  }
0x7: {  	s18 =	simm.s32 $0x18000;
	s19 =	simm.s32 $0x0;
	[smem:$0x7FF] =	sst s4  }
0x8: {  	s8 =	sand.u32 $0x1, s5;
	s5 =	smul.u32 $0xA000, s3;
	s6 =	sadd.s32 $0x1E00, s7  }
0x9: {  	s11 =	smul.u32 $0x5000, s3;
	s7 =	sadd.s32 $0x51E00, s7;
	s28 =	sshll.u32 s3, $0x1  }
0xa: {  	_ =	strace $0x8000004A;
	s9 =	ssub.s32 $0x2, s8;
	s29 =	sor.u32 s8, s28  }
0xb: {  	s10 =	sshrl.u32 s9, $0x1;
	s30 =	sshrl.u32 s5, $0x3;
	s31 =	sshrl.u32 s11, $0x2  }
0xc: {  	v1 =	vlaneseq.u32;
	s12 =	ssub.s32 s9, s10;
	s8 =	sadd.s32 s6, s30;
	s9 =	sadd.s32 s31, s2  }
0xd: {  	v0 =	vshrl.u32 v1, $0x3;
	v1 =	vand.u32 $0x7, v1;
	s10 =	smul.u32 $0x4E20, s29;
	s11 =	smax.u32 s12, $0x1;
	s12 =	simm.s32 $0x80  }
.LBB2_1:
0xe: {  	[tilespmem:s14], [sflag:$0x1] =	stream.strided.gather [hbm4b:s8+s12], $0x1400, s13, s12, $0x38;
	[tilespmem:$0x19F80] =	vst v63  }
0xf: {  	_ =	swait.ge [sflag:s15], $0x1400  }
0x10: {  	[sflag:s15] =	ssyncset.done $0x0  }
0x11: {  	s20 =	simm.s32 $0x0;
	[sflag:s15] =	ssyncadd.s32 $0xFFFFEC00  }
.LBB2_3:
0x12: {  	s20 =	sadd.s32 $0x1, s20  }
0x13: {  	s21 =	sshrl.u32 s20, $0x3  }
0x14: {  	s21 =	smul.u32 $0xA0000, s21  }
0x15: {  	s22 =	sshll.u32 s20, $0x7  }
0x16: {  	s22 =	sand.u32 $0x380, s22;
	s21 =	sadd.s32 s5, s21  }
0x17: {  	s21 =	sor.u32 s22, s21  }
0x18: {  	s21 =	sshrl.u32 s21, $0x3  }
0x19: {  	s21 =	sadd.s32 s6, s21  }
0x1a: {  	[tilespmem:s16], [sflag:$0x1] =	stream.strided.gather [hbm4b:s21+s12], $0x1400, s13, s12, $0x38;
	[tilespmem:$0x19F80] =	vst v63  }
0x1b: {  	_ =	swait.ge [sflag:s15], $0x1400  }
0x1c: {  	[sflag:s15] =	ssyncset.done $0x0  }
0x1d: {  	s21 =	simm.s32 $0x0;
	[sflag:s15] =	ssyncadd.s32 $0xFFFFEC00  }
0x1e: {  	s22 =	simm.s32 $0x40;
	v2 =	vld [tilespmem:s21+$0x14000]  }
.LBB2_4:
0x1f: {  	p0 =	seq.s32 s22, $0x4FC0;
	v3 =	vld [tilespmem:s21+$0x15400];
	_ =	sdelay $0x1  }
.Ltmp0:
0x20: {  	(pc) =	sbr.rel @!p0 .LBB2_4-.Ltmp0, $3  }
0x21: {  	_ =	sdelay $0x1  }
0x22: {  	s23 =	sshra.s32 s22, $0x2;
	v3 =	vmax.f32 v3, v2  }
0x23: {  	s22 =	sadd.s32 $0x40, s22;
	v2 =	vld [tilespmem:s23+$0x14000];
	[tilespmem:s21+$0x15400] =	vst v3;
	s21 =	smov.u32 s23  }
0x24: {  	v3 =	vld [tilespmem:s21+$0x15400];
	_ =	sdelay $0x4  }
0x25: {  	v2 =	vmax.f32 v3, v2  }
0x26: {  	[tilespmem:s21+$0x15400] =	vst v2  }
0x27: {  	p0 =	seq.s32 s20, $0x1F  }
.Ltmp1:
0x28: {  	_ = 	snop;
	(pc) =	sbr.rel @!p0 .LBB2_3-.Ltmp1, $1  }
0x29: {  	_ =	sdelay $0x3  }
0x2a: {  	s20 =	simm.s32 $0x0;
	s21 =	simm.s32 $0x40  }
.LBB2_7:
0x2b: {  	p0 =	sne.s32 s21, $0x4FC0;
	v2 =	vld [tilespmem:s20+$0x15400];
	_ =	sdelay $0x4  }
0x2c: {  	v3 =	vshra.s32 v2, $0x1;
	v4 =	vmul.f32 $5.000000000e-01, v2  }
0x2d: {  	v3 =	vsub.s32 $0x5F3759DF, v3  }
0x2e: {  	v5 =	vmul.f32 v3, v4;
	_ =	sdelay $0x1  }
0x2f: {  	v5 =	vmul.f32 v3, v5;
	_ =	sdelay $0x1  }
0x30: {  	v5 =	vsub.f32 $1.500000000e+00, v5;
	_ =	sdelay $0x1  }
0x31: {  	v3 =	vmul.f32 v3, v5;
	_ =	sdelay $0x1  }
0x32: {  	v5 =	vmul.f32 v3, v4;
	_ =	sdelay $0x1  }
0x33: {  	v5 =	vmul.f32 v5, v3;
	_ =	sdelay $0x1  }
0x34: {  	v5 =	vsub.f32 $1.500000000e+00, v5;
	_ =	sdelay $0x1  }
0x35: {  	v3 =	vmul.f32 v5, v3;
	_ =	sdelay $0x1  }
0x36: {  	v4 =	vmul.f32 v3, v4;
	_ =	sdelay $0x1  }
0x37: {  	v4 =	vmul.f32 v4, v3;
	_ =	sdelay $0x1  }
0x38: {  	v4 =	vsub.f32 $1.500000000e+00, v4;
	_ =	sdelay $0x1  }
0x39: {  	v3 =	vmul.f32 v4, v3;
	_ =	sdelay $0x1  }
.Ltmp2:
0x3a: {  	v2 =	vmul.f32 v3, v2;
	(pc) =	sbr.rel @p0 .LBB2_7-.Ltmp2, $3  }
0x3b: {  	_ = 	snop  }
0x3c: {  	v2 =	vadd.f32 $1.999999990e-08, v2;
	_ =	sdelay $0x1  }
0x3d: {  	[tilespmem:s20+$0x15400] =	vst v2;
	s20 =	sshra.s32 s21, $0x2;
	s21 =	sadd.s32 $0x40, s21  }
0x3e: {  	v2 =	vld [tilespmem:s20+$0x15400];
	_ =	sdelay $0x4  }
0x3f: {  	v3 =	vshra.s32 v2, $0x1;
	v4 =	vmul.f32 $5.000000000e-01, v2  }
0x40: {  	v3 =	vsub.s32 $0x5F3759DF, v3  }
0x41: {  	v5 =	vmul.f32 v3, v4;
	_ =	sdelay $0x1  }
0x42: {  	v5 =	vmul.f32 v3, v5;
	_ =	sdelay $0x1  }
0x43: {  	v5 =	vsub.f32 $1.500000000e+00, v5;
	_ =	sdelay $0x1  }
0x44: {  	v3 =	vmul.f32 v3, v5;
	_ =	sdelay $0x1  }
0x45: {  	v5 =	vmul.f32 v3, v4;
	_ =	sdelay $0x1  }
0x46: {  	v5 =	vmul.f32 v5, v3;
	_ =	sdelay $0x1  }
0x47: {  	v5 =	vsub.f32 $1.500000000e+00, v5;
	_ =	sdelay $0x1  }
0x48: {  	v3 =	vmul.f32 v5, v3;
	_ =	sdelay $0x1  }
0x49: {  	v4 =	vmul.f32 v3, v4;
	_ =	sdelay $0x1  }
0x4a: {  	v4 =	vmul.f32 v4, v3;
	_ =	sdelay $0x1  }
0x4b: {  	v4 =	vsub.f32 $1.500000000e+00, v4;
	_ =	sdelay $0x1  }
0x4c: {  	v3 =	vmul.f32 v4, v3;
	_ =	sdelay $0x1  }
0x4d: {  	v2 =	vmul.f32 v3, v2;
	_ =	sdelay $0x1  }
0x4e: {  	v2 =	vadd.f32 $1.999999990e-08, v2;
	_ =	sdelay $0x1  }
0x4f: {  	[tilespmem:s20+$0x15400] =	vst v2  }
0x50: {  	[spmem:s9] =	stream.linear.scatter [tilespmem:s14], [sflag:$0x1], $0x1400, $0x38;
	[tilespmem:$0x19F80] =	vst v63  }
0x51: {  	_ =	swait.ge [sflag:s15], $0x1400  }
0x52: {  	[sflag:s15] =	ssyncset.done $0x0  }
0x53: {  	[sflag:s15] =	ssyncadd.s32 $0xFFFFEC00  }
0x54: {  	s20 =	simm.s32 $0x0;
	[bflag:$0x0] =	sbarrier.arrive $0xFFFF  }
0x55: {  	[tilespmem:s20], [sflag:$0x1] =	stream.linear.gather [spmem:s2], $0x14000, $0x38;
	[tilespmem:$0x19F80] =	vst v63  }
0x56: {  	_ =	swait.ge [sflag:s15], $0x14000  }
0x57: {  	[sflag:s15] =	ssyncset.done $0x0  }
0x58: {  	s21 =	simm.s32 $0x0;
	[sflag:s15] =	ssyncadd.s32 $0xFFFEC000  }
.LBB2_9:
0x59: {  	s22 =	smul.u32 $0x3E8, s21;
	_ =	sdelay $0x1  }
0x5a: {  	s22 =	sadd.s32 s10, s22  }
0x5b: {  	s23 =	sshrl.u32 s22, $0x3  }
0x5c: {  	v2 =	vor.u32 s20, v0;
	s23 =	sadd.s32 s1, s23  }
0x5d: {  	[tilespmem:s17], [sflag:$0x1] =	stream.linear.gather [hbm4b:s23+s20], $0x3E8, $0x38;
	[tilespmem:$0x19F80] =	vst v63  }
0x5e: {  	_ =	swait.ge [sflag:s15], $0x3E8  }
0x5f: {  	[sflag:s15] =	ssyncset.done $0x0  }
0x60: {  	[sflag:s15] =	ssyncadd.s32 $0xFFFFFC18  }
0x61: {  	v2 =	vld.idx.msk [tilespmem:v2+s17+$0x0], $0xffff;
	_ =	sdelay $0x4  }
0x62: {  	v2 =	vshll.u32 v2, $0x3  }
0x63: {  	v2 =	vor.u32 v1, v2;
	_ =	sdelay $0x4  }
0x64: {  	s31 =	simm.s32 $0x2;
	v2 =	vld.idx.msk [tilespmem:v2+s4+$0x0], $0xffff  }
0x65: {  	v3 =	vor.u32 s31, v0;
	_ =	sdelay $0x2  }
0x66: {  	s23 =	simm.s32 $0x18000  }
0x67: {  	[tilespmem:s23+$0x0] =	vst v2  }
0x68: {  	v2 =	vld.idx.msk [tilespmem:v3+s17+$0x0], $0xffff;
	_ =	sdelay $0x4  }
0x69: {  	v2 =	vshll.u32 v2, $0x3  }
0x6a: {  	v2 =	vor.u32 v1, v2;
	_ =	sdelay $0x4  }
0x6b: {  	s24 =	simm.s32 $0x4;
	v2 =	vld.idx.msk [tilespmem:v2+s4+$0x0], $0xffff  }
0x6c: {  	v3 =	vor.u32 s24, v0;
	s24 =	simm.s32 $0x6  }
.LBB2_10:
0x6d: {  	p0 =	sne.s32 s24, $0x3E6;
	_ =	sdelay $0x1  }
0x6e: {  	s23 =	sadd.s32 $0x10, s23  }
0x6f: {  	[tilespmem:s23+$0x0] =	vst v2  }
0x70: {  	v2 =	vld.idx.msk [tilespmem:v3+s17+$0x0], $0xffff;
	_ =	sdelay $0x5  }
0x71: {  	v2 =	vshll.u32 v2, $0x3  }
0x72: {  	v2 =	vor.u32 v1, v2;
	_ =	sdelay $0x2  }
.Ltmp3:
0x73: {  	(pc) =	sbr.rel @p0 .LBB2_10-.Ltmp3, $3  }
0x74: {  	_ = 	snop  }
0x75: {  	v2 =	vld.idx.msk [tilespmem:v2+s4+$0x0], $0xffff;
	_ =	sdelay $0x1  }
0x76: {  	v3 =	vor.u32 s24, v0;
	s24 =	sadd.s32 $0x2, s24  }
0x77: {  	_ =	sdelay $0x1  }
0x78: {  	s23 =	sadd.s32 $0x10, s23  }
0x79: {  	[tilespmem:s23+$0x0] =	vst v2  }
0x7a: {  	v2 =	vld.idx.msk [tilespmem:v3+s17+$0x0], $0xffff;
	_ =	sdelay $0x4  }
0x7b: {  	v2 =	vshll.u32 v2, $0x3  }
0x7c: {  	v2 =	vor.u32 v1, v2;
	_ =	sdelay $0x4  }
0x7d: {  	v2 =	vld.idx.msk [tilespmem:v2+s4+$0x0], $0xffff;
	_ =	sdelay $0x2  }
0x7e: {  	s21 =	sadd.s32 $0x1, s21  }
0x7f: {  	p0 =	sne.s32 s21, $0x14;
	s23 =	sadd.s32 $0x10, s23  }
.Ltmp4:
0x80: {  	s22 =	sadd.s32 s7, s22;
	[tilespmem:s23+$0x0] =	vst v2;
	(pc) =	sbr.rel @p0 .LBB2_9-.Ltmp4, $4  }
0x81: {  	[hbm4b:s22+s4] =	stream.linear.scatter [tilespmem:s18], [sflag:$0x1], $0x1F40, $0x38;
	[tilespmem:$0x19F80] =	vst v63  }
0x82: {  	_ =	swait.ge [sflag:s15], $0x1F40  }
0x83: {  	[sflag:s15] =	ssyncset.done $0x0  }
0x84: {  	[sflag:s15] =	ssyncadd.s32 $0xFFFFE0C0  }
0x85: {  	s19 =	sadd.s32 $0x1, s19  }
0x86: {  	p0 =	sne.s32 s19, s11  }
.Ltmp5:
0x87: {  	_ = 	snop;
	(pc) =	sbr.rel @p0 .LBB2_1-.Ltmp5, $1  }
0x88: {  	_ =	sdelay $0x3  }
0x89: {  	_ =	sfence.sel $0x180000  }
0x8a: {  	[bflag:$0x0] =	sbarrier.arrive $0xFFFF  }
0x8b: {  	p0 =	sne.s32 s3, $0x0;
	_ =	strace $0x9000004A  }
0x8c: {  	s0 =	sadd.s32 @!p0 $0x100000, s0;
	[bflag:$0x2] =	sbarrier.arrive $0xFFFF  }
0x8d: {  	[sflag:s0] =	ssyncadd.tile.s32 @!p0 $0x1;
	_ =	shalt  }
.Lfunc_end2:
_tile_overlayer_lowered:
.L_overlay_start_2:
0x8e: {  	(tag) =	ssettag $0x2  }
0x8f: {  	s0 =	rddreg [dreg:$0x0];
	s2 =	stileid.u32  }
0x90: {  	s1 =	rddreg [dreg:$0x1];
	p0 =	sne.s32 s2, $0x0  }
0x91: {  	s3 =	rddreg [dreg:$0x2];
	[bflag:$0x3] =	sbarrier.arrive $0xFFFF;
	s2 =	simm.s32 @!p0 $0x1C01  }
0x92: {  	[timem:s3], [sflag:s2] =	dma.local @!p0 [hbm:s0], s1  }
0x93: {  	s0 =	simm.s32 @!p0 $0x1  }
0x94: {  	_ =	swait.ge @!p0 [sflag:s0], s1  }
0x95: {  	s1 =	ssub.s32 @!p0 $0x0, s1;
	[sflag:s0] =	ssyncset.done @!p0 $0x0  }
0x96: {  	[sflag:s0] =	ssyncadd.s32 @!p0 s1  }
0x97: {  	[bflag:$0x3] =	sbarrier.arrive $0xFFFF  }
0x98: {  	_ =	shalt  }

</sc_bundles>
